<compile_context>
chip_gen: v7x
topology: tpu7x:2x2x1
jax: 0.10.2.dev20260603
libtpu: 0.0.44.dev20260713+nightly
codegen_flags: <defaults>
</compile_context>

<pallas_src>
import functools

import jax
import jax.numpy as jnp
from jax import lax
from jax.experimental import pallas as pl
from jax.experimental.pallas import tpu as pltpu
from jax.experimental.pallas import tpu_sc as plsc

_CE_W, _LOV_W, _DICE_W = 0.4, 0.3, 0.3
_SMOOTH = 1.0

_B = 8
_H = 512
_W = 512
_NPIX = _H * _W
_NTOT = _B * _NPIX

_BINS = 1024
_XLO = -16.0
_XSCALE = 32.0
_HB = 2 * _BINS

_NC, _NS, _L = 2, 16, 16
_NW = _NC * _NS
_ROWS_W = _H // 4
_CROWS = 16
_NCHUNK = _ROWS_W // _CROWS


def _dense_body(l_ref, t_ref, acc_ref):
    z0 = l_ref[0, 0]
    z1 = l_ref[0, 1]
    g = t_ref[0]
    gf = g.astype(jnp.float32)
    d = z1 - z0
    t = jnp.exp(-jnp.abs(d))
    r = 1.0 / (1.0 + t)
    p = jnp.where(d >= 0, r, t * r)
    neg_logp = jnp.maximum((1.0 - 2.0 * gf) * d, 0.0) + jnp.log(1.0 + t)

    first = (pl.program_id(0) == 0) & (pl.program_id(1) == 0)

    @pl.when(first)
    def _():
        acc_ref[0] = 0.0
        acc_ref[1] = 0.0
        acc_ref[2] = 0.0
        acc_ref[3] = 0.0

    acc_ref[0] += jnp.sum(neg_logp)
    acc_ref[1] += jnp.sum(p)
    acc_ref[2] += jnp.sum(gf)
    acc_ref[3] += jnp.sum(p * gf)


def _dense_pass(logits, targets):
    hc = 4
    hb = _H // hc
    return pl.pallas_call(
        _dense_body,
        grid=(_B, hc),
        in_specs=[
            pl.BlockSpec((1, 2, hb, _W), lambda i, j: (i, 0, j, 0)),
            pl.BlockSpec((1, hb, _W), lambda i, j: (i, j, 0)),
        ],
        out_specs=pl.BlockSpec(memory_space=pltpu.SMEM),
        out_shape=jax.ShapeDtypeStruct((4,), jnp.float32),
    )(logits, targets)


def _sc_hist_body(logits_hbm, tgt_hbm, out_hbm,
                  z0b, z1b, gb, hist, outbuf, *sems):
    wid = lax.axis_index("s") * _NC + lax.axis_index("c")
    b = lax.rem(wid, _B)
    q = lax.div(wid, _B)
    r0 = q * _ROWS_W

    def start_chunk(c, par):
        row = r0 + c * _CROWS
        pltpu.make_async_copy(
            logits_hbm.at[b, 0, pl.ds(row, _CROWS), :], z0b.at[par],
            sems[par * 3]).start()
        pltpu.make_async_copy(
            logits_hbm.at[b, 1, pl.ds(row, _CROWS), :], z1b.at[par],
            sems[par * 3 + 1]).start()
        pltpu.make_async_copy(
            tgt_hbm.at[b, pl.ds(row, _CROWS), :], gb.at[par],
            sems[par * 3 + 2]).start()

    def wait_chunk(par):
        pltpu.make_async_copy(
            logits_hbm.at[b, 0, pl.ds(r0, _CROWS), :], z0b.at[par],
            sems[par * 3]).wait()
        pltpu.make_async_copy(
            logits_hbm.at[b, 1, pl.ds(r0, _CROWS), :], z1b.at[par],
            sems[par * 3 + 1]).wait()
        pltpu.make_async_copy(
            tgt_hbm.at[b, pl.ds(r0, _CROWS), :], gb.at[par],
            sems[par * 3 + 2]).wait()

    start_chunk(0, 0)

    zeros = jnp.zeros((_L,), jnp.float32)
    ones = jnp.ones((_L,), jnp.float32)
    laneoff = lax.iota(jnp.int32, _L) * _HB
    gpr = _W // _L

    @plsc.parallel_loop(0, (_L * _HB) // _L, unroll=8)
    def _(i):
        hist[pl.ds(i * _L, _L)] = zeros

    def chunk_body(c, carry):
        par = lax.rem(c, 2)
        even = par == 0

        @pl.when(c + 1 < _NCHUNK)
        def _():
            @pl.when(even)
            def _():
                start_chunk(c + 1, 1)

            @pl.when(~even)
            def _():
                start_chunk(c + 1, 0)

        @pl.when(even)
        def _():
            wait_chunk(0)

        @pl.when(~even)
        def _():
            wait_chunk(1)

        @plsc.parallel_loop(0, _CROWS * gpr, unroll=16)
        def _(gi):
            row = lax.shift_right_logical(gi, 5)
            col = lax.shift_left(jnp.bitwise_and(gi, gpr - 1), 4)
            z0 = z0b[par, row, pl.ds(col, _L)]
            z1 = z1b[par, row, pl.ds(col, _L)]
            g = gb[par, row, pl.ds(col, _L)]
            d = z1 - z0
            gf = g.astype(jnp.float32)
            binf = d * (_XSCALE - 2.0 * _XSCALE * gf) - _XLO * _XSCALE
            bin_i = jnp.clip(binf.astype(jnp.int32), 0, _BINS - 1)
            plsc.addupdate_scatter(
                hist, [bin_i + g * _BINS + laneoff], ones)
        return carry

    lax.fori_loop(0, _NCHUNK, chunk_body, 0)

    @plsc.parallel_loop(0, _HB // _L)
    def _(cidx):
        acc = hist[pl.ds(cidx * _L, _L)]
        for lane in range(1, _L):
            acc = acc + hist[pl.ds(lane * _HB + cidx * _L, _L)]
        outbuf[pl.ds(cidx * _L, _L)] = acc

    pltpu.sync_copy(outbuf, out_hbm.at[wid])


@functools.cache
def _sc_hist():
    return pl.kernel(
        _sc_hist_body,
        out_type=jax.ShapeDtypeStruct((_NW, _HB), jnp.float32),
        mesh=plsc.VectorSubcoreMesh(
            core_axis_name="c", subcore_axis_name="s",
            num_cores=_NC, num_subcores=_NS,
        ),
        scratch_types=[
            pltpu.VMEM((2, _CROWS, _W), jnp.float32),
            pltpu.VMEM((2, _CROWS, _W), jnp.float32),
            pltpu.VMEM((2, _CROWS, _W), jnp.int32),
            pltpu.VMEM((_L * _HB,), jnp.float32),
            pltpu.VMEM((_HB,), jnp.float32),
        ] + [pltpu.SemaphoreType.DMA] * 6,
        compiler_params=pltpu.CompilerParams(needs_layout_passes=False),
    )


def _final_body(h_ref, acc_ref, out_ref):
    x = h_ref[...]
    h = jnp.sum(x, axis=0)
    neg = h[:, :_BINS]
    pos = h[:, _BINS:]
    tot = neg + pos
    r = lax.broadcasted_iota(jnp.int32, (_BINS, _BINS), 0)
    c = lax.broadcasted_iota(jnp.int32, (_BINS, _BINS), 1)
    upper = (r >= c).astype(jnp.float32)
    n = lax.dot(tot, upper, precision=lax.Precision.HIGHEST)
    cs = lax.dot(pos, upper, precision=lax.Precision.HIGHEST)
    p_tot = cs[:, 0:1]
    jac = jnp.where(n > 0.5, 1.0 - (p_tot - cs) / (p_tot + n - cs), 0.0)
    ki = lax.broadcasted_iota(jnp.int32, (1, _BINS), 1).astype(jnp.float32)
    xc = _XLO + (ki + 0.5) * (1.0 / _XSCALE)
    v = 1.0 / (1.0 + jnp.exp(-xc))
    vm1 = 1.0 / (1.0 + jnp.exp(-(xc - 1.0 / _XSCALE)))
    w = v - vm1
    lov = jnp.sum(jac * w, axis=1, keepdims=True)
    lov_mean = jnp.sum(lov) / _B

    ce = acc_ref[0] / _NTOT
    dice = 1.0 - (2.0 * acc_ref[3] + _SMOOTH) / (acc_ref[1] + acc_ref[2] + _SMOOTH)
    out_ref[0] = _CE_W * ce + _LOV_W * lov_mean + _DICE_W * dice


def _final_pass(hists, acc):
    return pl.pallas_call(
        _final_body,
        in_specs=[
            pl.BlockSpec(memory_space=pltpu.VMEM),
            pl.BlockSpec(memory_space=pltpu.SMEM),
        ],
        out_specs=pl.BlockSpec(memory_space=pltpu.SMEM),
        out_shape=jax.ShapeDtypeStruct((1,), jnp.float32),
    )(hists, acc)


def kernel(logits, targets):
    acc = _dense_pass(logits, targets)
    hists = _sc_hist()(logits, targets)
    out = _final_pass(hists.reshape(4, _B, _HB), acc)
    return out[0]

# --- scband reference (transcript-rebuilt; emitter-appended) ---
"""Pipeline reference for scband-competition-loss-29686813950387 (READ-ONLY COPY).

The authoritative reference and input builder live on the scoring server;
editing this copy changes nothing except your own understanding.
"""

import jax, jax.numpy as jnp
import numpy as np

CE_W, LOV_W, DICE_W = 0.4, 0.3, 0.3
SMOOTH = 1.0


def setup_inputs(seed: int = 0) -> dict:
    key = jax.random.key(seed)
    k1, k2 = jax.random.split(key)
    logits = jax.random.normal(k1, (8, 2, 512, 512), dtype=jnp.float32)
    targets = jax.random.randint(k2, (8, 512, 512), 0, 2, dtype=jnp.int32)
    return {"logits": logits, "targets": targets}


def _lovasz_grad(gt_sorted):
    gts = gt_sorted.sum()
    intersection = gts - jnp.cumsum(gt_sorted)
    union = gts + jnp.cumsum(1.0 - gt_sorted)
    jaccard = 1.0 - intersection / union
    jaccard = jnp.concatenate([jaccard[:1], jaccard[1:] - jaccard[:-1]])
    return jaccard


def _lovasz_per_sample(prob, label):
    prob_flat = prob.reshape(-1)
    label_flat = label.reshape(-1).astype(jnp.float32)
    errors = jnp.abs(label_flat - prob_flat)
    perm = jnp.argsort(-errors)
    errors_sorted = errors[perm]
    gt_sorted = label_flat[perm]
    grad = _lovasz_grad(gt_sorted)
    return jnp.dot(jax.nn.relu(errors_sorted), grad)


def _loss(logits, targets):
    # Cross entropy (mean over all pixels)
    logp = jax.nn.log_softmax(logits, axis=1)  # [B,2,H,W]
    picked = jnp.take_along_axis(logp, targets[:, None, :, :], axis=1)[:, 0]
    ce = -jnp.mean(picked)

    # Lovasz-Softmax (per-sample sort + Jaccard gradient)
    probs = jax.nn.softmax(logits, axis=1)
    fg_prob = probs[:, 1]
    lovasz = jnp.mean(jax.vmap(_lovasz_per_sample)(fg_prob, targets))

    # Dice on positive class
    targets_f = targets.astype(jnp.float32)
    intersection = jnp.sum(fg_prob * targets_f)
    union = jnp.sum(fg_prob) + jnp.sum(targets_f)
    dice = 1.0 - (2.0 * intersection + SMOOTH) / (union + SMOOTH)

    return CE_W * ce + LOV_W * lovasz + DICE_W * dice


def reference(logits, targets):
    return _loss(logits, targets)

if __name__ == "__main__":
    import jax
    _d = setup_inputs()
    print(jax.jit(kernel)(*tuple(_d.values())))

</pallas_src>

<mosaic_0001>
#map = affine_map<(d0, d1) -> (0, 0, 0, 0)>
#map1 = affine_map<(d0, d1) -> (0, 0, 0)>
#map2 = affine_map<(d0, d1) -> (0, 0)>
module attributes {stable_mosaic.version = 14 : i64} {
  func.func @_sc_hist_body(%arg0: i32, %arg1: i32, %arg2: memref<8x2x512x512xf32, #tpu.memory_space<hbm>>, %arg3: memref<8x512x512xi32, #tpu.memory_space<hbm>>, %arg4: memref<32x2048xf32, #tpu.memory_space<hbm>>, %arg5: memref<2x16x512xf32, #tpu.memory_space<vmem>>, %arg6: memref<2x16x512xf32, #tpu.memory_space<vmem>>, %arg7: memref<2x16x512xi32, #tpu.memory_space<vmem>>, %arg8: memref<32768xf32, #tpu.memory_space<vmem>>, %arg9: memref<2048xf32, #tpu.memory_space<vmem>>, %arg10: memref<!tpu.dma_semaphore, #tpu.memory_space<semaphore_mem>>, %arg11: memref<!tpu.dma_semaphore, #tpu.memory_space<semaphore_mem>>, %arg12: memref<!tpu.dma_semaphore, #tpu.memory_space<semaphore_mem>>, %arg13: memref<!tpu.dma_semaphore, #tpu.memory_space<semaphore_mem>>, %arg14: memref<!tpu.dma_semaphore, #tpu.memory_space<semaphore_mem>>, %arg15: memref<!tpu.dma_semaphore, #tpu.memory_space<semaphore_mem>>) attributes {dimension_semantics = [#tpu.dimension_semantics<core_parallel>, #tpu.dimension_semantics<subcore_parallel>], iteration_bounds = array<i64: 2, 16>, scalar_prefetch = 0 : i64, scratch_operands = 11 : i64, tpu.core_type = #tpu.core_type<sc_vector_subcore>, window_params = [{transform_indices = #map}, {transform_indices = #map1}, {transform_indices = #map2}]} {
    %mul3A = arith.constant 2 : i32
    %mul3A_0 = arith.muli %arg1, %mul3A : i32
    %add3A = arith.addi %mul3A_0, %arg0 : i32
    %rem3A = arith.constant 8 : i32
    %rem3A_1 = arith.remsi %add3A, %rem3A : i32
    %div3A = arith.constant 8 : i32
    %div3A_2 = arith.divsi %add3A, %div3A : i32
    %mul3A_3 = arith.constant 128 : i32
    %mul3A_4 = arith.muli %div3A_2, %mul3A_3 : i32
    %add3A_5 = arith.constant 0 : i32
    %add3A_6 = arith.addi %mul3A_4, %add3A_5 : i32
    %dma_start3A = arith.constant 0 : i32
    %dma_start3A_7 = arith.constant 0 : i32
    %dma_start3A_8 = arith.constant 0 : i32
    %dma_start3A_9 = arith.constant 0 : i32
    %dma_start3A_10 = tpu.memref_slice %arg5[%dma_start3A_7, %dma_start3A_8, %dma_start3A_9] : memref<2x16x512xf32, #tpu.memory_space<vmem>> -> memref<1x16x512xf32, #tpu.memory_space<vmem>>
    %dma_start3A_11 = tpu.memref_squeeze %dma_start3A_10 : memref<1x16x512xf32, #tpu.memory_space<vmem>> -> memref<16x512xf32, #tpu.memory_space<vmem>>
    %dma_start3A_12 = arith.constant 0 : i32
    %dma_start3A_13 = tpu.memref_slice %arg2[%rem3A_1, %dma_start3A, %add3A_6, %dma_start3A_12] : memref<8x2x512x512xf32, #tpu.memory_space<hbm>> -> memref<1x1x16x512xf32, #tpu.memory_space<hbm>>
    %dma_start3A_14 = tpu.memref_squeeze %dma_start3A_13 : memref<1x1x16x512xf32, #tpu.memory_space<hbm>> -> memref<16x512xf32, #tpu.memory_space<hbm>>
    %dma_start3A_15 = arith.constant 0 : i32
    %dma_start3A_16 = arith.constant 0 : i32
    %dma_start3A_17 = tpu.memref_slice %arg5[%dma_start3A_7, %dma_start3A_15, %dma_start3A_16] : memref<2x16x512xf32, #tpu.memory_space<vmem>> -> memref<1x16x512xf32, #tpu.memory_space<vmem>>
    %dma_start3A_18 = tpu.memref_squeeze %dma_start3A_17 : memref<1x16x512xf32, #tpu.memory_space<vmem>> -> memref<16x512xf32, #tpu.memory_space<vmem>>
    %dma_start3A_19 = arith.constant 0 : i32
    %dma_start3A_20 = tpu.memref_slice %arg2[%rem3A_1, %dma_start3A, %add3A_6, %dma_start3A_19] : memref<8x2x512x512xf32, #tpu.memory_space<hbm>> -> memref<1x1x16x512xf32, #tpu.memory_space<hbm>>
    %dma_start3A_21 = tpu.memref_squeeze %dma_start3A_20 : memref<1x1x16x512xf32, #tpu.memory_space<hbm>> -> memref<16x512xf32, #tpu.memory_space<hbm>>
    tpu.enqueue_dma source(%dma_start3A_21 : memref<16x512xf32, #tpu.memory_space<hbm>>) target(%dma_start3A_18 : memref<16x512xf32, #tpu.memory_space<vmem>>) target_semaphore(%arg10 : memref<!tpu.dma_semaphore, #tpu.memory_space<semaphore_mem>>)
    %dma_start3A_22 = arith.constant 1 : i32
    %dma_start3A_23 = arith.constant 0 : i32
    %dma_start3A_24 = arith.constant 0 : i32
    %dma_start3A_25 = arith.constant 0 : i32
    %dma_start3A_26 = tpu.memref_slice %arg6[%dma_start3A_23, %dma_start3A_24, %dma_start3A_25] : memref<2x16x512xf32, #tpu.memory_space<vmem>> -> memref<1x16x512xf32, #tpu.memory_space<vmem>>
    %dma_start3A_27 = tpu.memref_squeeze %dma_start3A_26 : memref<1x16x512xf32, #tpu.memory_space<vmem>> -> memref<16x512xf32, #tpu.memory_space<vmem>>
    %dma_start3A_28 = arith.constant 0 : i32
    %dma_start3A_29 = tpu.memref_slice %arg2[%rem3A_1, %dma_start3A_22, %add3A_6, %dma_start3A_28] : memref<8x2x512x512xf32, #tpu.memory_space<hbm>> -> memref<1x1x16x512xf32, #tpu.memory_space<hbm>>
    %dma_start3A_30 = tpu.memref_squeeze %dma_start3A_29 : memref<1x1x16x512xf32, #tpu.memory_space<hbm>> -> memref<16x512xf32, #tpu.memory_space<hbm>>
    %dma_start3A_31 = arith.constant 0 : i32
    %dma_start3A_32 = arith.constant 0 : i32
    %dma_start3A_33 = tpu.memref_slice %arg6[%dma_start3A_23, %dma_start3A_31, %dma_start3A_32] : memref<2x16x512xf32, #tpu.memory_space<vmem>> -> memref<1x16x512xf32, #tpu.memory_space<vmem>>
    %dma_start3A_34 = tpu.memref_squeeze %dma_start3A_33 : memref<1x16x512xf32, #tpu.memory_space<vmem>> -> memref<16x512xf32, #tpu.memory_space<vmem>>
    %dma_start3A_35 = arith.constant 0 : i32
    %dma_start3A_36 = tpu.memref_slice %arg2[%rem3A_1, %dma_start3A_22, %add3A_6, %dma_start3A_35] : memref<8x2x512x512xf32, #tpu.memory_space<hbm>> -> memref<1x1x16x512xf32, #tpu.memory_space<hbm>>
    %dma_start3A_37 = tpu.memref_squeeze %dma_start3A_36 : memref<1x1x16x512xf32, #tpu.memory_space<hbm>> -> memref<16x512xf32, #tpu.memory_space<hbm>>
    tpu.enqueue_dma source(%dma_start3A_37 : memref<16x512xf32, #tpu.memory_space<hbm>>) target(%dma_start3A_34 : memref<16x512xf32, #tpu.memory_space<vmem>>) target_semaphore(%arg11 : memref<!tpu.dma_semaphore, #tpu.memory_space<semaphore_mem>>)
    %dma_start3A_38 = arith.constant 0 : i32
    %dma_start3A_39 = arith.constant 0 : i32
    %dma_start3A_40 = arith.constant 0 : i32
    %dma_start3A_41 = tpu.memref_slice %arg7[%dma_start3A_38, %dma_start3A_39, %dma_start3A_40] : memref<2x16x512xi32, #tpu.memory_space<vmem>> -> memref<1x16x512xi32, #tpu.memory_space<vmem>>
    %dma_start3A_42 = tpu.memref_squeeze %dma_start3A_41 : memref<1x16x512xi32, #tpu.memory_space<vmem>> -> memref<16x512xi32, #tpu.memory_space<vmem>>
    %dma_start3A_43 = arith.constant 0 : i32
    %dma_start3A_44 = tpu.memref_slice %arg3[%rem3A_1, %add3A_6, %dma_start3A_43] : memref<8x512x512xi32, #tpu.memory_space<hbm>> -> memref<1x16x512xi32, #tpu.memory_space<hbm>>
    %dma_start3A_45 = tpu.memref_squeeze %dma_start3A_44 : memref<1x16x512xi32, #tpu.memory_space<hbm>> -> memref<16x512xi32, #tpu.memory_space<hbm>>
    %dma_start3A_46 = arith.constant 0 : i32
    %dma_start3A_47 = arith.constant 0 : i32
    %dma_start3A_48 = tpu.memref_slice %arg7[%dma_start3A_38, %dma_start3A_46, %dma_start3A_47] : memref<2x16x512xi32, #tpu.memory_space<vmem>> -> memref<1x16x512xi32, #tpu.memory_space<vmem>>
    %dma_start3A_49 = tpu.memref_squeeze %dma_start3A_48 : memref<1x16x512xi32, #tpu.memory_space<vmem>> -> memref<16x512xi32, #tpu.memory_space<vmem>>
    %dma_start3A_50 = arith.constant 0 : i32
    %dma_start3A_51 = tpu.memref_slice %arg3[%rem3A_1, %add3A_6, %dma_start3A_50] : memref<8x512x512xi32, #tpu.memory_space<hbm>> -> memref<1x16x512xi32, #tpu.memory_space<hbm>>
    %dma_start3A_52 = tpu.memref_squeeze %dma_start3A_51 : memref<1x16x512xi32, #tpu.memory_space<hbm>> -> memref<16x512xi32, #tpu.memory_space<hbm>>
    tpu.enqueue_dma source(%dma_start3A_52 : memref<16x512xi32, #tpu.memory_space<hbm>>) target(%dma_start3A_49 : memref<16x512xi32, #tpu.memory_space<vmem>>) target_semaphore(%arg12 : memref<!tpu.dma_semaphore, #tpu.memory_space<semaphore_mem>>)
    %broadcast_in_dim3A = arith.constant 0.000000e+00 : f32
    %broadcast_in_dim3A_53 = vector.broadcast %broadcast_in_dim3A : f32 to vector<16xf32>
    %broadcast_in_dim3A_54 = arith.constant 1.000000e+00 : f32
    %broadcast_in_dim3A_55 = vector.broadcast %broadcast_in_dim3A_54 : f32 to vector<16xf32>
    %iota3A = tpu.iota {dimensions = array<i32: 0>} : vector<16xi32>
    %mul3A_56 = arith.constant 2048 : i32
    %mul3A_57 = vector.broadcast %mul3A_56 : i32 to vector<16xi32>
    %mul3A_58 = arith.muli %iota3A, %mul3A_57 : vector<16xi32>
    %parallel_loop3A = arith.constant 0 : i32
    %parallel_loop3A_59 = arith.constant 2048 : i32
    %parallel_loop3A_60 = arith.constant 1 : i32
    scf.for %parallel_loop3A_69 = %parallel_loop3A to %parallel_loop3A_59 step %parallel_loop3A_60  : i32 {
      %parallel_loop3A_70 = arith.constant 16 : i32
      %parallel_loop3A_71 = arith.muli %parallel_loop3A_69, %parallel_loop3A_70 : i32
      %parallel_loop3A_72 = arith.index_cast %parallel_loop3A_71 : i32 to index
      %parallel_loop3A_73 = tpu.vector_load %arg8[%parallel_loop3A_72] {strides = array<i32>} : memref<32768xf32, #tpu.memory_space<vmem>>, vector<16xf32>,
      tpu.vector_store %arg8[%parallel_loop3A_72], %broadcast_in_dim3A_53 {strides = array<i32>} : memref<32768xf32, #tpu.memory_space<vmem>>, vector<16xf32>,
    } {sc.loop_unroll_factor = 8 : i64, sc.parallel_access}
    %scan3A = arith.constant 0 : i32
    %scan3A_61 = arith.constant 0 : i32
    %scan3A_62 = arith.constant 8 : i32
    %scan3A_63 = arith.addi %scan3A_61, %scan3A_62 : i32
    %scan3A_64 = arith.constant 1 : i32
    scf.for %scan3A_69 = %scan3A_61 to %scan3A_63 step %scan3A_64  : i32 {
      %rem3A_70 = arith.constant 2 : i32
      %rem3A_71 = arith.remsi %scan3A_69, %rem3A_70 : i32
      %eq3A = arith.constant 0 : i32
      %eq3A_72 = arith.cmpi eq, %rem3A_71, %eq3A : i32
      %add3A_73 = arith.constant 1 : i32
      %add3A_74 = arith.addi %scan3A_69, %add3A_73 : i32
      %lt3A = arith.constant 8 : i32
      %lt3A_75 = arith.cmpi slt, %add3A_74, %lt3A : i32
      %convert_element_type3A = arith.extui %lt3A_75 : i1 to i32
      %cond3A = arith.constant 0 : i32
      %cond3A_76 = arith.cmpi ne, %convert_element_type3A, %cond3A : i32
      scf.if %cond3A_76 {
        %convert_element_type3A_87 = arith.extui %eq3A_72 : i1 to i32
        %cond3A_88 = arith.constant 0 : i32
        %cond3A_89 = arith.cmpi ne, %convert_element_type3A_87, %cond3A_88 : i32
        scf.if %cond3A_89 {
          %add3A_95 = arith.constant 1 : i32
          %add3A_96 = arith.addi %scan3A_69, %add3A_95 : i32
          %mul3A_97 = arith.constant 16 : i32
          %mul3A_98 = arith.muli %add3A_96, %mul3A_97 : i32
          %add3A_99 = arith.addi %mul3A_4, %mul3A_98 : i32
          %dma_start3A_100 = arith.constant 0 : i32
          %dma_start3A_101 = arith.constant 1 : i32
          %dma_start3A_102 = arith.constant 0 : i32
          %dma_start3A_103 = arith.constant 0 : i32
          %dma_start3A_104 = tpu.memref_slice %arg5[%dma_start3A_101, %dma_start3A_102, %dma_start3A_103] : memref<2x16x512xf32, #tpu.memory_space<vmem>> -> memref<1x16x512xf32, #tpu.memory_space<vmem>>
          %dma_start3A_105 = tpu.memref_squeeze %dma_start3A_104 : memref<1x16x512xf32, #tpu.memory_space<vmem>> -> memref<16x512xf32, #tpu.memory_space<vmem>>
          %dma_start3A_106 = arith.constant 0 : i32
          %dma_start3A_107 = tpu.memref_slice %arg2[%rem3A_1, %dma_start3A_100, %add3A_99, %dma_start3A_106] : memref<8x2x512x512xf32, #tpu.memory_space<hbm>> -> memref<1x1x16x512xf32, #tpu.memory_space<hbm>>
          %dma_start3A_108 = tpu.memref_squeeze %dma_start3A_107 : memref<1x1x16x512xf32, #tpu.memory_space<hbm>> -> memref<16x512xf32, #tpu.memory_space<hbm>>
          %dma_start3A_109 = arith.constant 0 : i32
          %dma_start3A_110 = arith.constant 0 : i32
          %dma_start3A_111 = tpu.memref_slice %arg5[%dma_start3A_101, %dma_start3A_109, %dma_start3A_110] : memref<2x16x512xf32, #tpu.memory_space<vmem>> -> memref<1x16x512xf32, #tpu.memory_space<vmem>>
          %dma_start3A_112 = tpu.memref_squeeze %dma_start3A_111 : memref<1x16x512xf32, #tpu.memory_space<vmem>> -> memref<16x512xf32, #tpu.memory_space<vmem>>
          %dma_start3A_113 = arith.constant 0 : i32
          %dma_start3A_114 = tpu.memref_slice %arg2[%rem3A_1, %dma_start3A_100, %add3A_99, %dma_start3A_113] : memref<8x2x512x512xf32, #tpu.memory_space<hbm>> -> memref<1x1x16x512xf32, #tpu.memory_space<hbm>>
          %dma_start3A_115 = tpu.memref_squeeze %dma_start3A_114 : memref<1x1x16x512xf32, #tpu.memory_space<hbm>> -> memref<16x512xf32, #tpu.memory_space<hbm>>
          tpu.enqueue_dma source(%dma_start3A_115 : memref<16x512xf32, #tpu.memory_space<hbm>>) target(%dma_start3A_112 : memref<16x512xf32, #tpu.memory_space<vmem>>) target_semaphore(%arg13 : memref<!tpu.dma_semaphore, #tpu.memory_space<semaphore_mem>>)
          %dma_start3A_116 = arith.constant 1 : i32
          %dma_start3A_117 = arith.constant 1 : i32
          %dma_start3A_118 = arith.constant 0 : i32
          %dma_start3A_119 = arith.constant 0 : i32
          %dma_start3A_120 = tpu.memref_slice %arg6[%dma_start3A_117, %dma_start3A_118, %dma_start3A_119] : memref<2x16x512xf32, #tpu.memory_space<vmem>> -> memref<1x16x512xf32, #tpu.memory_space<vmem>>
          %dma_start3A_121 = tpu.memref_squeeze %dma_start3A_120 : memref<1x16x512xf32, #tpu.memory_space<vmem>> -> memref<16x512xf32, #tpu.memory_space<vmem>>
          %dma_start3A_122 = arith.constant 0 : i32
          %dma_start3A_123 = tpu.memref_slice %arg2[%rem3A_1, %dma_start3A_116, %add3A_99, %dma_start3A_122] : memref<8x2x512x512xf32, #tpu.memory_space<hbm>> -> memref<1x1x16x512xf32, #tpu.memory_space<hbm>>
          %dma_start3A_124 = tpu.memref_squeeze %dma_start3A_123 : memref<1x1x16x512xf32, #tpu.memory_space<hbm>> -> memref<16x512xf32, #tpu.memory_space<hbm>>
          %dma_start3A_125 = arith.constant 0 : i32
          %dma_start3A_126 = arith.constant 0 : i32
          %dma_start3A_127 = tpu.memref_slice %arg6[%dma_start3A_117, %dma_start3A_125, %dma_start3A_126] : memref<2x16x512xf32, #tpu.memory_space<vmem>> -> memref<1x16x512xf32, #tpu.memory_space<vmem>>
          %dma_start3A_128 = tpu.memref_squeeze %dma_start3A_127 : memref<1x16x512xf32, #tpu.memory_space<vmem>> -> memref<16x512xf32, #tpu.memory_space<vmem>>
          %dma_start3A_129 = arith.constant 0 : i32
          %dma_start3A_130 = tpu.memref_slice %arg2[%rem3A_1, %dma_start3A_116, %add3A_99, %dma_start3A_129] : memref<8x2x512x512xf32, #tpu.memory_space<hbm>> -> memref<1x1x16x512xf32, #tpu.memory_space<hbm>>
          %dma_start3A_131 = tpu.memref_squeeze %dma_start3A_130 : memref<1x1x16x512xf32, #tpu.memory_space<hbm>> -> memref<16x512xf32, #tpu.memory_space<hbm>>
          tpu.enqueue_dma source(%dma_start3A_131 : memref<16x512xf32, #tpu.memory_space<hbm>>) target(%dma_start3A_128 : memref<16x512xf32, #tpu.memory_space<vmem>>) target_semaphore(%arg14 : memref<!tpu.dma_semaphore, #tpu.memory_space<semaphore_mem>>)
          %dma_start3A_132 = arith.constant 1 : i32
          %dma_start3A_133 = arith.constant 0 : i32
          %dma_start3A_134 = arith.constant 0 : i32
          %dma_start3A_135 = tpu.memref_slice %arg7[%dma_start3A_132, %dma_start3A_133, %dma_start3A_134] : memref<2x16x512xi32, #tpu.memory_space<vmem>> -> memref<1x16x512xi32, #tpu.memory_space<vmem>>
          %dma_start3A_136 = tpu.memref_squeeze %dma_start3A_135 : memref<1x16x512xi32, #tpu.memory_space<vmem>> -> memref<16x512xi32, #tpu.memory_space<vmem>>
          %dma_start3A_137 = arith.constant 0 : i32
          %dma_start3A_138 = tpu.memref_slice %arg3[%rem3A_1, %add3A_99, %dma_start3A_137] : memref<8x512x512xi32, #tpu.memory_space<hbm>> -> memref<1x16x512xi32, #tpu.memory_space<hbm>>
          %dma_start3A_139 = tpu.memref_squeeze %dma_start3A_138 : memref<1x16x512xi32, #tpu.memory_space<hbm>> -> memref<16x512xi32, #tpu.memory_space<hbm>>
          %dma_start3A_140 = arith.constant 0 : i32
          %dma_start3A_141 = arith.constant 0 : i32
          %dma_start3A_142 = tpu.memref_slice %arg7[%dma_start3A_132, %dma_start3A_140, %dma_start3A_141] : memref<2x16x512xi32, #tpu.memory_space<vmem>> -> memref<1x16x512xi32, #tpu.memory_space<vmem>>
          %dma_start3A_143 = tpu.memref_squeeze %dma_start3A_142 : memref<1x16x512xi32, #tpu.memory_space<vmem>> -> memref<16x512xi32, #tpu.memory_space<vmem>>
          %dma_start3A_144 = arith.constant 0 : i32
          %dma_start3A_145 = tpu.memref_slice %arg3[%rem3A_1, %add3A_99, %dma_start3A_144] : memref<8x512x512xi32, #tpu.memory_space<hbm>> -> memref<1x16x512xi32, #tpu.memory_space<hbm>>
          %dma_start3A_146 = tpu.memref_squeeze %dma_start3A_145 : memref<1x16x512xi32, #tpu.memory_space<hbm>> -> memref<16x512xi32, #tpu.memory_space<hbm>>
          tpu.enqueue_dma source(%dma_start3A_146 : memref<16x512xi32, #tpu.memory_space<hbm>>) target(%dma_start3A_143 : memref<16x512xi32, #tpu.memory_space<vmem>>) target_semaphore(%arg15 : memref<!tpu.dma_semaphore, #tpu.memory_space<semaphore_mem>>)
        } else {
        }
        %not3A_90 = arith.constant true
        %not3A_91 = arith.xori %eq3A_72, %not3A_90 : i1
        %convert_element_type3A_92 = arith.extui %not3A_91 : i1 to i32
        %cond3A_93 = arith.constant 0 : i32
        %cond3A_94 = arith.cmpi ne, %convert_element_type3A_92, %cond3A_93 : i32
        scf.if %cond3A_94 {
          %add3A_95 = arith.constant 1 : i32
          %add3A_96 = arith.addi %scan3A_69, %add3A_95 : i32
          %mul3A_97 = arith.constant 16 : i32
          %mul3A_98 = arith.muli %add3A_96, %mul3A_97 : i32
          %add3A_99 = arith.addi %mul3A_4, %mul3A_98 : i32
          %dma_start3A_100 = arith.constant 0 : i32
          %dma_start3A_101 = arith.constant 0 : i32
          %dma_start3A_102 = arith.constant 0 : i32
          %dma_start3A_103 = arith.constant 0 : i32
          %dma_start3A_104 = tpu.memref_slice %arg5[%dma_start3A_101, %dma_start3A_102, %dma_start3A_103] : memref<2x16x512xf32, #tpu.memory_space<vmem>> -> memref<1x16x512xf32, #tpu.memory_space<vmem>>
          %dma_start3A_105 = tpu.memref_squeeze %dma_start3A_104 : memref<1x16x512xf32, #tpu.memory_space<vmem>> -> memref<16x512xf32, #tpu.memory_space<vmem>>
          %dma_start3A_106 = arith.constant 0 : i32
          %dma_start3A_107 = tpu.memref_slice %arg2[%rem3A_1, %dma_start3A_100, %add3A_99, %dma_start3A_106] : memref<8x2x512x512xf32, #tpu.memory_space<hbm>> -> memref<1x1x16x512xf32, #tpu.memory_space<hbm>>
          %dma_start3A_108 = tpu.memref_squeeze %dma_start3A_107 : memref<1x1x16x512xf32, #tpu.memory_space<hbm>> -> memref<16x512xf32, #tpu.memory_space<hbm>>
          %dma_start3A_109 = arith.constant 0 : i32
          %dma_start3A_110 = arith.constant 0 : i32
          %dma_start3A_111 = tpu.memref_slice %arg5[%dma_start3A_101, %dma_start3A_109, %dma_start3A_110] : memref<2x16x512xf32, #tpu.memory_space<vmem>> -> memref<1x16x512xf32, #tpu.memory_space<vmem>>
          %dma_start3A_112 = tpu.memref_squeeze %dma_start3A_111 : memref<1x16x512xf32, #tpu.memory_space<vmem>> -> memref<16x512xf32, #tpu.memory_space<vmem>>
          %dma_start3A_113 = arith.constant 0 : i32
          %dma_start3A_114 = tpu.memref_slice %arg2[%rem3A_1, %dma_start3A_100, %add3A_99, %dma_start3A_113] : memref<8x2x512x512xf32, #tpu.memory_space<hbm>> -> memref<1x1x16x512xf32, #tpu.memory_space<hbm>>
          %dma_start3A_115 = tpu.memref_squeeze %dma_start3A_114 : memref<1x1x16x512xf32, #tpu.memory_space<hbm>> -> memref<16x512xf32, #tpu.memory_space<hbm>>
          tpu.enqueue_dma source(%dma_start3A_115 : memref<16x512xf32, #tpu.memory_space<hbm>>) target(%dma_start3A_112 : memref<16x512xf32, #tpu.memory_space<vmem>>) target_semaphore(%arg10 : memref<!tpu.dma_semaphore, #tpu.memory_space<semaphore_mem>>)
          %dma_start3A_116 = arith.constant 1 : i32
          %dma_start3A_117 = arith.constant 0 : i32
          %dma_start3A_118 = arith.constant 0 : i32
          %dma_start3A_119 = arith.constant 0 : i32
          %dma_start3A_120 = tpu.memref_slice %arg6[%dma_start3A_117, %dma_start3A_118, %dma_start3A_119] : memref<2x16x512xf32, #tpu.memory_space<vmem>> -> memref<1x16x512xf32, #tpu.memory_space<vmem>>
          %dma_start3A_121 = tpu.memref_squeeze %dma_start3A_120 : memref<1x16x512xf32, #tpu.memory_space<vmem>> -> memref<16x512xf32, #tpu.memory_space<vmem>>
          %dma_start3A_122 = arith.constant 0 : i32
          %dma_start3A_123 = tpu.memref_slice %arg2[%rem3A_1, %dma_start3A_116, %add3A_99, %dma_start3A_122] : memref<8x2x512x512xf32, #tpu.memory_space<hbm>> -> memref<1x1x16x512xf32, #tpu.memory_space<hbm>>
          %dma_start3A_124 = tpu.memref_squeeze %dma_start3A_123 : memref<1x1x16x512xf32, #tpu.memory_space<hbm>> -> memref<16x512xf32, #tpu.memory_space<hbm>>
          %dma_start3A_125 = arith.constant 0 : i32
          %dma_start3A_126 = arith.constant 0 : i32
          %dma_start3A_127 = tpu.memref_slice %arg6[%dma_start3A_117, %dma_start3A_125, %dma_start3A_126] : memref<2x16x512xf32, #tpu.memory_space<vmem>> -> memref<1x16x512xf32, #tpu.memory_space<vmem>>
          %dma_start3A_128 = tpu.memref_squeeze %dma_start3A_127 : memref<1x16x512xf32, #tpu.memory_space<vmem>> -> memref<16x512xf32, #tpu.memory_space<vmem>>
          %dma_start3A_129 = arith.constant 0 : i32
          %dma_start3A_130 = tpu.memref_slice %arg2[%rem3A_1, %dma_start3A_116, %add3A_99, %dma_start3A_129] : memref<8x2x512x512xf32, #tpu.memory_space<hbm>> -> memref<1x1x16x512xf32, #tpu.memory_space<hbm>>
          %dma_start3A_131 = tpu.memref_squeeze %dma_start3A_130 : memref<1x1x16x512xf32, #tpu.memory_space<hbm>> -> memref<16x512xf32, #tpu.memory_space<hbm>>
          tpu.enqueue_dma source(%dma_start3A_131 : memref<16x512xf32, #tpu.memory_space<hbm>>) target(%dma_start3A_128 : memref<16x512xf32, #tpu.memory_space<vmem>>) target_semaphore(%arg11 : memref<!tpu.dma_semaphore, #tpu.memory_space<semaphore_mem>>)
          %dma_start3A_132 = arith.constant 0 : i32
          %dma_start3A_133 = arith.constant 0 : i32
          %dma_start3A_134 = arith.constant 0 : i32
          %dma_start3A_135 = tpu.memref_slice %arg7[%dma_start3A_132, %dma_start3A_133, %dma_start3A_134] : memref<2x16x512xi32, #tpu.memory_space<vmem>> -> memref<1x16x512xi32, #tpu.memory_space<vmem>>
          %dma_start3A_136 = tpu.memref_squeeze %dma_start3A_135 : memref<1x16x512xi32, #tpu.memory_space<vmem>> -> memref<16x512xi32, #tpu.memory_space<vmem>>
          %dma_start3A_137 = arith.constant 0 : i32
          %dma_start3A_138 = tpu.memref_slice %arg3[%rem3A_1, %add3A_99, %dma_start3A_137] : memref<8x512x512xi32, #tpu.memory_space<hbm>> -> memref<1x16x512xi32, #tpu.memory_space<hbm>>
          %dma_start3A_139 = tpu.memref_squeeze %dma_start3A_138 : memref<1x16x512xi32, #tpu.memory_space<hbm>> -> memref<16x512xi32, #tpu.memory_space<hbm>>
          %dma_start3A_140 = arith.constant 0 : i32
          %dma_start3A_141 = arith.constant 0 : i32
          %dma_start3A_142 = tpu.memref_slice %arg7[%dma_start3A_132, %dma_start3A_140, %dma_start3A_141] : memref<2x16x512xi32, #tpu.memory_space<vmem>> -> memref<1x16x512xi32, #tpu.memory_space<vmem>>
          %dma_start3A_143 = tpu.memref_squeeze %dma_start3A_142 : memref<1x16x512xi32, #tpu.memory_space<vmem>> -> memref<16x512xi32, #tpu.memory_space<vmem>>
          %dma_start3A_144 = arith.constant 0 : i32
          %dma_start3A_145 = tpu.memref_slice %arg3[%rem3A_1, %add3A_99, %dma_start3A_144] : memref<8x512x512xi32, #tpu.memory_space<hbm>> -> memref<1x16x512xi32, #tpu.memory_space<hbm>>
          %dma_start3A_146 = tpu.memref_squeeze %dma_start3A_145 : memref<1x16x512xi32, #tpu.memory_space<hbm>> -> memref<16x512xi32, #tpu.memory_space<hbm>>
          tpu.enqueue_dma source(%dma_start3A_146 : memref<16x512xi32, #tpu.memory_space<hbm>>) target(%dma_start3A_143 : memref<16x512xi32, #tpu.memory_space<vmem>>) target_semaphore(%arg12 : memref<!tpu.dma_semaphore, #tpu.memory_space<semaphore_mem>>)
        } else {
        }
      } else {
      }
      %convert_element_type3A_77 = arith.extui %eq3A_72 : i1 to i32
      %cond3A_78 = arith.constant 0 : i32
      %cond3A_79 = arith.cmpi ne, %convert_element_type3A_77, %cond3A_78 : i32
      scf.if %cond3A_79 {
        %dma_wait3A = arith.constant 0 : i32
        %dma_wait3A_87 = arith.constant 0 : i32
        %dma_wait3A_88 = arith.constant 0 : i32
        %dma_wait3A_89 = arith.constant 0 : i32
        %dma_wait3A_90 = tpu.memref_slice %arg5[%dma_wait3A_87, %dma_wait3A_88, %dma_wait3A_89] : memref<2x16x512xf32, #tpu.memory_space<vmem>> -> memref<1x16x512xf32, #tpu.memory_space<vmem>>
        %dma_wait3A_91 = tpu.memref_squeeze %dma_wait3A_90 : memref<1x16x512xf32, #tpu.memory_space<vmem>> -> memref<16x512xf32, #tpu.memory_space<vmem>>
        %dma_wait3A_92 = arith.constant 0 : i32
        %dma_wait3A_93 = tpu.memref_slice %arg2[%rem3A_1, %dma_wait3A, %mul3A_4, %dma_wait3A_92] : memref<8x2x512x512xf32, #tpu.memory_space<hbm>> -> memref<1x1x16x512xf32, #tpu.memory_space<hbm>>
        %dma_wait3A_94 = tpu.memref_squeeze %dma_wait3A_93 : memref<1x1x16x512xf32, #tpu.memory_space<hbm>> -> memref<16x512xf32, #tpu.memory_space<hbm>>
        %dma_wait3A_95 = arith.constant 0 : i32
        %dma_wait3A_96 = arith.constant 0 : i32
        %dma_wait3A_97 = tpu.memref_slice %arg5[%dma_wait3A_87, %dma_wait3A_95, %dma_wait3A_96] : memref<2x16x512xf32, #tpu.memory_space<vmem>> -> memref<1x16x512xf32, #tpu.memory_space<vmem>>
        %dma_wait3A_98 = tpu.memref_squeeze %dma_wait3A_97 : memref<1x16x512xf32, #tpu.memory_space<vmem>> -> memref<16x512xf32, #tpu.memory_space<vmem>>
        %dma_wait3A_99 = arith.constant 0 : i32
        %dma_wait3A_100 = tpu.memref_slice %arg2[%rem3A_1, %dma_wait3A, %mul3A_4, %dma_wait3A_99] : memref<8x2x512x512xf32, #tpu.memory_space<hbm>> -> memref<1x1x16x512xf32, #tpu.memory_space<hbm>>
        %dma_wait3A_101 = tpu.memref_squeeze %dma_wait3A_100 : memref<1x1x16x512xf32, #tpu.memory_space<hbm>> -> memref<16x512xf32, #tpu.memory_space<hbm>>
        tpu.wait_dma2 semaphore(%arg10 : memref<!tpu.dma_semaphore, #tpu.memory_space<semaphore_mem>>) src(%dma_wait3A_101 : memref<16x512xf32, #tpu.memory_space<hbm>>) dst(%dma_wait3A_98 : memref<16x512xf32, #tpu.memory_space<vmem>>)
        %dma_wait3A_102 = arith.constant 1 : i32
        %dma_wait3A_103 = arith.constant 0 : i32
        %dma_wait3A_104 = arith.constant 0 : i32
        %dma_wait3A_105 = arith.constant 0 : i32
        %dma_wait3A_106 = tpu.memref_slice %arg6[%dma_wait3A_103, %dma_wait3A_104, %dma_wait3A_105] : memref<2x16x512xf32, #tpu.memory_space<vmem>> -> memref<1x16x512xf32, #tpu.memory_space<vmem>>
        %dma_wait3A_107 = tpu.memref_squeeze %dma_wait3A_106 : memref<1x16x512xf32, #tpu.memory_space<vmem>> -> memref<16x512xf32, #tpu.memory_space<vmem>>
        %dma_wait3A_108 = arith.constant 0 : i32
        %dma_wait3A_109 = tpu.memref_slice %arg2[%rem3A_1, %dma_wait3A_102, %mul3A_4, %dma_wait3A_108] : memref<8x2x512x512xf32, #tpu.memory_space<hbm>> -> memref<1x1x16x512xf32, #tpu.memory_space<hbm>>
        %dma_wait3A_110 = tpu.memref_squeeze %dma_wait3A_109 : memref<1x1x16x512xf32, #tpu.memory_space<hbm>> -> memref<16x512xf32, #tpu.memory_space<hbm>>
        %dma_wait3A_111 = arith.constant 0 : i32
        %dma_wait3A_112 = arith.constant 0 : i32
        %dma_wait3A_113 = tpu.memref_slice %arg6[%dma_wait3A_103, %dma_wait3A_111, %dma_wait3A_112] : memref<2x16x512xf32, #tpu.memory_space<vmem>> -> memref<1x16x512xf32, #tpu.memory_space<vmem>>
        %dma_wait3A_114 = tpu.memref_squeeze %dma_wait3A_113 : memref<1x16x512xf32, #tpu.memory_space<vmem>> -> memref<16x512xf32, #tpu.memory_space<vmem>>
        %dma_wait3A_115 = arith.constant 0 : i32
        %dma_wait3A_116 = tpu.memref_slice %arg2[%rem3A_1, %dma_wait3A_102, %mul3A_4, %dma_wait3A_115] : memref<8x2x512x512xf32, #tpu.memory_space<hbm>> -> memref<1x1x16x512xf32, #tpu.memory_space<hbm>>
        %dma_wait3A_117 = tpu.memref_squeeze %dma_wait3A_116 : memref<1x1x16x512xf32, #tpu.memory_space<hbm>> -> memref<16x512xf32, #tpu.memory_space<hbm>>
        tpu.wait_dma2 semaphore(%arg11 : memref<!tpu.dma_semaphore, #tpu.memory_space<semaphore_mem>>) src(%dma_wait3A_117 : memref<16x512xf32, #tpu.memory_space<hbm>>) dst(%dma_wait3A_114 : memref<16x512xf32, #tpu.memory_space<vmem>>)
        %dma_wait3A_118 = arith.constant 0 : i32
        %dma_wait3A_119 = arith.constant 0 : i32
        %dma_wait3A_120 = arith.constant 0 : i32
        %dma_wait3A_121 = tpu.memref_slice %arg7[%dma_wait3A_118, %dma_wait3A_119, %dma_wait3A_120] : memref<2x16x512xi32, #tpu.memory_space<vmem>> -> memref<1x16x512xi32, #tpu.memory_space<vmem>>
        %dma_wait3A_122 = tpu.memref_squeeze %dma_wait3A_121 : memref<1x16x512xi32, #tpu.memory_space<vmem>> -> memref<16x512xi32, #tpu.memory_space<vmem>>
        %dma_wait3A_123 = arith.constant 0 : i32
        %dma_wait3A_124 = tpu.memref_slice %arg3[%rem3A_1, %mul3A_4, %dma_wait3A_123] : memref<8x512x512xi32, #tpu.memory_space<hbm>> -> memref<1x16x512xi32, #tpu.memory_space<hbm>>
        %dma_wait3A_125 = tpu.memref_squeeze %dma_wait3A_124 : memref<1x16x512xi32, #tpu.memory_space<hbm>> -> memref<16x512xi32, #tpu.memory_space<hbm>>
        %dma_wait3A_126 = arith.constant 0 : i32
        %dma_wait3A_127 = arith.constant 0 : i32
        %dma_wait3A_128 = tpu.memref_slice %arg7[%dma_wait3A_118, %dma_wait3A_126, %dma_wait3A_127] : memref<2x16x512xi32, #tpu.memory_space<vmem>> -> memref<1x16x512xi32, #tpu.memory_space<vmem>>
        %dma_wait3A_129 = tpu.memref_squeeze %dma_wait3A_128 : memref<1x16x512xi32, #tpu.memory_space<vmem>> -> memref<16x512xi32, #tpu.memory_space<vmem>>
        %dma_wait3A_130 = arith.constant 0 : i32
        %dma_wait3A_131 = tpu.memref_slice %arg3[%rem3A_1, %mul3A_4, %dma_wait3A_130] : memref<8x512x512xi32, #tpu.memory_space<hbm>> -> memref<1x16x512xi32, #tpu.memory_space<hbm>>
        %dma_wait3A_132 = tpu.memref_squeeze %dma_wait3A_131 : memref<1x16x512xi32, #tpu.memory_space<hbm>> -> memref<16x512xi32, #tpu.memory_space<hbm>>
        tpu.wait_dma2 semaphore(%arg12 : memref<!tpu.dma_semaphore, #tpu.memory_space<semaphore_mem>>) src(%dma_wait3A_132 : memref<16x512xi32, #tpu.memory_space<hbm>>) dst(%dma_wait3A_129 : memref<16x512xi32, #tpu.memory_space<vmem>>)
      } else {
      }
      %not3A = arith.constant true
      %not3A_80 = arith.xori %eq3A_72, %not3A : i1
      %convert_element_type3A_81 = arith.extui %not3A_80 : i1 to i32
      %cond3A_82 = arith.constant 0 : i32
      %cond3A_83 = arith.cmpi ne, %convert_element_type3A_81, %cond3A_82 : i32
      scf.if %cond3A_83 {
        %dma_wait3A = arith.constant 0 : i32
        %dma_wait3A_87 = arith.constant 1 : i32
        %dma_wait3A_88 = arith.constant 0 : i32
        %dma_wait3A_89 = arith.constant 0 : i32
        %dma_wait3A_90 = tpu.memref_slice %arg5[%dma_wait3A_87, %dma_wait3A_88, %dma_wait3A_89] : memref<2x16x512xf32, #tpu.memory_space<vmem>> -> memref<1x16x512xf32, #tpu.memory_space<vmem>>
        %dma_wait3A_91 = tpu.memref_squeeze %dma_wait3A_90 : memref<1x16x512xf32, #tpu.memory_space<vmem>> -> memref<16x512xf32, #tpu.memory_space<vmem>>
        %dma_wait3A_92 = arith.constant 0 : i32
        %dma_wait3A_93 = tpu.memref_slice %arg2[%rem3A_1, %dma_wait3A, %mul3A_4, %dma_wait3A_92] : memref<8x2x512x512xf32, #tpu.memory_space<hbm>> -> memref<1x1x16x512xf32, #tpu.memory_space<hbm>>
        %dma_wait3A_94 = tpu.memref_squeeze %dma_wait3A_93 : memref<1x1x16x512xf32, #tpu.memory_space<hbm>> -> memref<16x512xf32, #tpu.memory_space<hbm>>
        %dma_wait3A_95 = arith.constant 0 : i32
        %dma_wait3A_96 = arith.constant 0 : i32
        %dma_wait3A_97 = tpu.memref_slice %arg5[%dma_wait3A_87, %dma_wait3A_95, %dma_wait3A_96] : memref<2x16x512xf32, #tpu.memory_space<vmem>> -> memref<1x16x512xf32, #tpu.memory_space<vmem>>
        %dma_wait3A_98 = tpu.memref_squeeze %dma_wait3A_97 : memref<1x16x512xf32, #tpu.memory_space<vmem>> -> memref<16x512xf32, #tpu.memory_space<vmem>>
        %dma_wait3A_99 = arith.constant 0 : i32
        %dma_wait3A_100 = tpu.memref_slice %arg2[%rem3A_1, %dma_wait3A, %mul3A_4, %dma_wait3A_99] : memref<8x2x512x512xf32, #tpu.memory_space<hbm>> -> memref<1x1x16x512xf32, #tpu.memory_space<hbm>>
        %dma_wait3A_101 = tpu.memref_squeeze %dma_wait3A_100 : memref<1x1x16x512xf32, #tpu.memory_space<hbm>> -> memref<16x512xf32, #tpu.memory_space<hbm>>
        tpu.wait_dma2 semaphore(%arg13 : memref<!tpu.dma_semaphore, #tpu.memory_space<semaphore_mem>>) src(%dma_wait3A_101 : memref<16x512xf32, #tpu.memory_space<hbm>>) dst(%dma_wait3A_98 : memref<16x512xf32, #tpu.memory_space<vmem>>)
        %dma_wait3A_102 = arith.constant 1 : i32
        %dma_wait3A_103 = arith.constant 1 : i32
        %dma_wait3A_104 = arith.constant 0 : i32
        %dma_wait3A_105 = arith.constant 0 : i32
        %dma_wait3A_106 = tpu.memref_slice %arg6[%dma_wait3A_103, %dma_wait3A_104, %dma_wait3A_105] : memref<2x16x512xf32, #tpu.memory_space<vmem>> -> memref<1x16x512xf32, #tpu.memory_space<vmem>>
        %dma_wait3A_107 = tpu.memref_squeeze %dma_wait3A_106 : memref<1x16x512xf32, #tpu.memory_space<vmem>> -> memref<16x512xf32, #tpu.memory_space<vmem>>
        %dma_wait3A_108 = arith.constant 0 : i32
        %dma_wait3A_109 = tpu.memref_slice %arg2[%rem3A_1, %dma_wait3A_102, %mul3A_4, %dma_wait3A_108] : memref<8x2x512x512xf32, #tpu.memory_space<hbm>> -> memref<1x1x16x512xf32, #tpu.memory_space<hbm>>
        %dma_wait3A_110 = tpu.memref_squeeze %dma_wait3A_109 : memref<1x1x16x512xf32, #tpu.memory_space<hbm>> -> memref<16x512xf32, #tpu.memory_space<hbm>>
        %dma_wait3A_111 = arith.constant 0 : i32
        %dma_wait3A_112 = arith.constant 0 : i32
        %dma_wait3A_113 = tpu.memref_slice %arg6[%dma_wait3A_103, %dma_wait3A_111, %dma_wait3A_112] : memref<2x16x512xf32, #tpu.memory_space<vmem>> -> memref<1x16x512xf32, #tpu.memory_space<vmem>>
        %dma_wait3A_114 = tpu.memref_squeeze %dma_wait3A_113 : memref<1x16x512xf32, #tpu.memory_space<vmem>> -> memref<16x512xf32, #tpu.memory_space<vmem>>
        %dma_wait3A_115 = arith.constant 0 : i32
        %dma_wait3A_116 = tpu.memref_slice %arg2[%rem3A_1, %dma_wait3A_102, %mul3A_4, %dma_wait3A_115] : memref<8x2x512x512xf32, #tpu.memory_space<hbm>> -> memref<1x1x16x512xf32, #tpu.memory_space<hbm>>
        %dma_wait3A_117 = tpu.memref_squeeze %dma_wait3A_116 : memref<1x1x16x512xf32, #tpu.memory_space<hbm>> -> memref<16x512xf32, #tpu.memory_space<hbm>>
        tpu.wait_dma2 semaphore(%arg14 : memref<!tpu.dma_semaphore, #tpu.memory_space<semaphore_mem>>) src(%dma_wait3A_117 : memref<16x512xf32, #tpu.memory_space<hbm>>) dst(%dma_wait3A_114 : memref<16x512xf32, #tpu.memory_space<vmem>>)
        %dma_wait3A_118 = arith.constant 1 : i32
        %dma_wait3A_119 = arith.constant 0 : i32
        %dma_wait3A_120 = arith.constant 0 : i32
        %dma_wait3A_121 = tpu.memref_slice %arg7[%dma_wait3A_118, %dma_wait3A_119, %dma_wait3A_120] : memref<2x16x512xi32, #tpu.memory_space<vmem>> -> memref<1x16x512xi32, #tpu.memory_space<vmem>>
        %dma_wait3A_122 = tpu.memref_squeeze %dma_wait3A_121 : memref<1x16x512xi32, #tpu.memory_space<vmem>> -> memref<16x512xi32, #tpu.memory_space<vmem>>
        %dma_wait3A_123 = arith.constant 0 : i32
        %dma_wait3A_124 = tpu.memref_slice %arg3[%rem3A_1, %mul3A_4, %dma_wait3A_123] : memref<8x512x512xi32, #tpu.memory_space<hbm>> -> memref<1x16x512xi32, #tpu.memory_space<hbm>>
        %dma_wait3A_125 = tpu.memref_squeeze %dma_wait3A_124 : memref<1x16x512xi32, #tpu.memory_space<hbm>> -> memref<16x512xi32, #tpu.memory_space<hbm>>
        %dma_wait3A_126 = arith.constant 0 : i32
        %dma_wait3A_127 = arith.constant 0 : i32
        %dma_wait3A_128 = tpu.memref_slice %arg7[%dma_wait3A_118, %dma_wait3A_126, %dma_wait3A_127] : memref<2x16x512xi32, #tpu.memory_space<vmem>> -> memref<1x16x512xi32, #tpu.memory_space<vmem>>
        %dma_wait3A_129 = tpu.memref_squeeze %dma_wait3A_128 : memref<1x16x512xi32, #tpu.memory_space<vmem>> -> memref<16x512xi32, #tpu.memory_space<vmem>>
        %dma_wait3A_130 = arith.constant 0 : i32
        %dma_wait3A_131 = tpu.memref_slice %arg3[%rem3A_1, %mul3A_4, %dma_wait3A_130] : memref<8x512x512xi32, #tpu.memory_space<hbm>> -> memref<1x16x512xi32, #tpu.memory_space<hbm>>
        %dma_wait3A_132 = tpu.memref_squeeze %dma_wait3A_131 : memref<1x16x512xi32, #tpu.memory_space<hbm>> -> memref<16x512xi32, #tpu.memory_space<hbm>>
        tpu.wait_dma2 semaphore(%arg15 : memref<!tpu.dma_semaphore, #tpu.memory_space<semaphore_mem>>) src(%dma_wait3A_132 : memref<16x512xi32, #tpu.memory_space<hbm>>) dst(%dma_wait3A_129 : memref<16x512xi32, #tpu.memory_space<vmem>>)
      } else {
      }
      %parallel_loop3A_84 = arith.constant 0 : i32
      %parallel_loop3A_85 = arith.constant 512 : i32
      %parallel_loop3A_86 = arith.constant 1 : i32
      scf.for %parallel_loop3A_87 = %parallel_loop3A_84 to %parallel_loop3A_85 step %parallel_loop3A_86  : i32 {
        %parallel_loop3A_88 = arith.constant 5 : i32
        %parallel_loop3A_89 = arith.shrui %parallel_loop3A_87, %parallel_loop3A_88 : i32
        %parallel_loop3A_90 = arith.constant 31 : i32
        %parallel_loop3A_91 = arith.andi %parallel_loop3A_87, %parallel_loop3A_90 : i32
        %parallel_loop3A_92 = arith.constant 4 : i32
        %parallel_loop3A_93 = arith.shli %parallel_loop3A_91, %parallel_loop3A_92 : i32
        %parallel_loop3A_94 = arith.index_cast %rem3A_71 : i32 to index
        %parallel_loop3A_95 = arith.index_cast %parallel_loop3A_89 : i32 to index
        %parallel_loop3A_96 = arith.index_cast %parallel_loop3A_93 : i32 to index
        %parallel_loop3A_97 = tpu.vector_load %arg5[%parallel_loop3A_94, %parallel_loop3A_95, %parallel_loop3A_96] {strides = array<i32>} : memref<2x16x512xf32, #tpu.memory_space<vmem>>, vector<16xf32>,
        %parallel_loop3A_98 = arith.index_cast %rem3A_71 : i32 to index
        %parallel_loop3A_99 = arith.index_cast %parallel_loop3A_89 : i32 to index
        %parallel_loop3A_100 = arith.index_cast %parallel_loop3A_93 : i32 to index
        %parallel_loop3A_101 = tpu.vector_load %arg6[%parallel_loop3A_98, %parallel_loop3A_99, %parallel_loop3A_100] {strides = array<i32>} : memref<2x16x512xf32, #tpu.memory_space<vmem>>, vector<16xf32>,
        %parallel_loop3A_102 = arith.index_cast %rem3A_71 : i32 to index
        %parallel_loop3A_103 = arith.index_cast %parallel_loop3A_89 : i32 to index
        %parallel_loop3A_104 = arith.index_cast %parallel_loop3A_93 : i32 to index
        %parallel_loop3A_105 = tpu.vector_load %arg7[%parallel_loop3A_102, %parallel_loop3A_103, %parallel_loop3A_104] {strides = array<i32>} : memref<2x16x512xi32, #tpu.memory_space<vmem>>, vector<16xi32>,
        %parallel_loop3A_106 = arith.subf %parallel_loop3A_101, %parallel_loop3A_97 : vector<16xf32>
        %parallel_loop3A_107 = arith.sitofp %parallel_loop3A_105 : vector<16xi32> to vector<16xf32>
        %parallel_loop3A_108 = arith.constant 6.400000e+01 : f32
        %parallel_loop3A_109 = vector.broadcast %parallel_loop3A_108 : f32 to vector<16xf32>
        %parallel_loop3A_110 = arith.mulf %parallel_loop3A_109, %parallel_loop3A_107 : vector<16xf32>
        %parallel_loop3A_111 = arith.constant 3.200000e+01 : f32
        %parallel_loop3A_112 = vector.broadcast %parallel_loop3A_111 : f32 to vector<16xf32>
        %parallel_loop3A_113 = arith.subf %parallel_loop3A_112, %parallel_loop3A_110 : vector<16xf32>
        %parallel_loop3A_114 = arith.mulf %parallel_loop3A_106, %parallel_loop3A_113 : vector<16xf32>
        %parallel_loop3A_115 = arith.constant -5.120000e+02 : f32
        %parallel_loop3A_116 = vector.broadcast %parallel_loop3A_115 : f32 to vector<16xf32>
        %parallel_loop3A_117 = arith.subf %parallel_loop3A_114, %parallel_loop3A_116 : vector<16xf32>
        %parallel_loop3A_118 = arith.fptosi %parallel_loop3A_117 : vector<16xf32> to vector<16xi32>
        %parallel_loop3A_119 = arith.constant 0 : i32
        %parallel_loop3A_120 = arith.constant 1023 : i32
        %parallel_loop3A_121 = vector.broadcast %parallel_loop3A_119 : i32 to vector<16xi32>
        %parallel_loop3A_122 = arith.maxsi %parallel_loop3A_121, %parallel_loop3A_118 : vector<16xi32>
        %parallel_loop3A_123 = vector.broadcast %parallel_loop3A_120 : i32 to vector<16xi32>
        %parallel_loop3A_124 = arith.minsi %parallel_loop3A_123, %parallel_loop3A_122 : vector<16xi32>
        %parallel_loop3A_125 = arith.constant 1024 : i32
        %parallel_loop3A_126 = vector.broadcast %parallel_loop3A_125 : i32 to vector<16xi32>
        %parallel_loop3A_127 = arith.muli %parallel_loop3A_105, %parallel_loop3A_126 : vector<16xi32>
        %parallel_loop3A_128 = arith.addi %parallel_loop3A_124, %parallel_loop3A_127 : vector<16xi32>
        %parallel_loop3A_129 = arith.addi %parallel_loop3A_128, %mul3A_58 : vector<16xi32>
        tpu.vector_store_idx %arg8[%parallel_loop3A_129], %broadcast_in_dim3A_55 {add = true} : memref<32768xf32, #tpu.memory_space<vmem>>[vector<16xi32>], vector<16xf32>,
      } {sc.loop_unroll_factor = 16 : i64, sc.parallel_access}
    }
    %scan3A_65 = arith.constant 8 : i32
    %parallel_loop3A_66 = arith.constant 0 : i32
    %parallel_loop3A_67 = arith.constant 128 : i32
    %parallel_loop3A_68 = arith.constant 1 : i32
    scf.for %parallel_loop3A_69 = %parallel_loop3A_66 to %parallel_loop3A_67 step %parallel_loop3A_68  : i32 {
      %parallel_loop3A_70 = arith.constant 16 : i32
      %parallel_loop3A_71 = arith.muli %parallel_loop3A_69, %parallel_loop3A_70 : i32
      %parallel_loop3A_72 = arith.index_cast %parallel_loop3A_71 : i32 to index
      %parallel_loop3A_73 = tpu.vector_load %arg8[%parallel_loop3A_72] {strides = array<i32>} : memref<32768xf32, #tpu.memory_space<vmem>>, vector<16xf32>,
      %parallel_loop3A_74 = arith.constant 16 : i32
      %parallel_loop3A_75 = arith.muli %parallel_loop3A_69, %parallel_loop3A_74 : i32
      %parallel_loop3A_76 = arith.constant 2048 : i32
      %parallel_loop3A_77 = arith.addi %parallel_loop3A_76, %parallel_loop3A_75 : i32
      %parallel_loop3A_78 = arith.index_cast %parallel_loop3A_77 : i32 to index
      %parallel_loop3A_79 = tpu.vector_load %arg8[%parallel_loop3A_78] {strides = array<i32>} : memref<32768xf32, #tpu.memory_space<vmem>>, vector<16xf32>,
      %parallel_loop3A_80 = arith.addf %parallel_loop3A_73, %parallel_loop3A_79 : vector<16xf32>
      %parallel_loop3A_81 = arith.constant 16 : i32
      %parallel_loop3A_82 = arith.muli %parallel_loop3A_69, %parallel_loop3A_81 : i32
      %parallel_loop3A_83 = arith.constant 4096 : i32
      %parallel_loop3A_84 = arith.addi %parallel_loop3A_83, %parallel_loop3A_82 : i32
      %parallel_loop3A_85 = arith.index_cast %parallel_loop3A_84 : i32 to index
      %parallel_loop3A_86 = tpu.vector_load %arg8[%parallel_loop3A_85] {strides = array<i32>} : memref<32768xf32, #tpu.memory_space<vmem>>, vector<16xf32>,
      %parallel_loop3A_87 = arith.addf %parallel_loop3A_80, %parallel_loop3A_86 : vector<16xf32>
      %parallel_loop3A_88 = arith.constant 16 : i32
      %parallel_loop3A_89 = arith.muli %parallel_loop3A_69, %parallel_loop3A_88 : i32
      %parallel_loop3A_90 = arith.constant 6144 : i32
      %parallel_loop3A_91 = arith.addi %parallel_loop3A_90, %parallel_loop3A_89 : i32
      %parallel_loop3A_92 = arith.index_cast %parallel_loop3A_91 : i32 to index
      %parallel_loop3A_93 = tpu.vector_load %arg8[%parallel_loop3A_92] {strides = array<i32>} : memref<32768xf32, #tpu.memory_space<vmem>>, vector<16xf32>,
      %parallel_loop3A_94 = arith.addf %parallel_loop3A_87, %parallel_loop3A_93 : vector<16xf32>
      %parallel_loop3A_95 = arith.constant 16 : i32
      %parallel_loop3A_96 = arith.muli %parallel_loop3A_69, %parallel_loop3A_95 : i32
      %parallel_loop3A_97 = arith.constant 8192 : i32
      %parallel_loop3A_98 = arith.addi %parallel_loop3A_97, %parallel_loop3A_96 : i32
      %parallel_loop3A_99 = arith.index_cast %parallel_loop3A_98 : i32 to index
      %parallel_loop3A_100 = tpu.vector_load %arg8[%parallel_loop3A_99] {strides = array<i32>} : memref<32768xf32, #tpu.memory_space<vmem>>, vector<16xf32>,
      %parallel_loop3A_101 = arith.addf %parallel_loop3A_94, %parallel_loop3A_100 : vector<16xf32>
      %parallel_loop3A_102 = arith.constant 16 : i32
      %parallel_loop3A_103 = arith.muli %parallel_loop3A_69, %parallel_loop3A_102 : i32
      %parallel_loop3A_104 = arith.constant 10240 : i32
      %parallel_loop3A_105 = arith.addi %parallel_loop3A_104, %parallel_loop3A_103 : i32
      %parallel_loop3A_106 = arith.index_cast %parallel_loop3A_105 : i32 to index
      %parallel_loop3A_107 = tpu.vector_load %arg8[%parallel_loop3A_106] {strides = array<i32>} : memref<32768xf32, #tpu.memory_space<vmem>>, vector<16xf32>,
      %parallel_loop3A_108 = arith.addf %parallel_loop3A_101, %parallel_loop3A_107 : vector<16xf32>
      %parallel_loop3A_109 = arith.constant 16 : i32
      %parallel_loop3A_110 = arith.muli %parallel_loop3A_69, %parallel_loop3A_109 : i32
      %parallel_loop3A_111 = arith.constant 12288 : i32
      %parallel_loop3A_112 = arith.addi %parallel_loop3A_111, %parallel_loop3A_110 : i32
      %parallel_loop3A_113 = arith.index_cast %parallel_loop3A_112 : i32 to index
      %parallel_loop3A_114 = tpu.vector_load %arg8[%parallel_loop3A_113] {strides = array<i32>} : memref<32768xf32, #tpu.memory_space<vmem>>, vector<16xf32>,
      %parallel_loop3A_115 = arith.addf %parallel_loop3A_108, %parallel_loop3A_114 : vector<16xf32>
      %parallel_loop3A_116 = arith.constant 16 : i32
      %parallel_loop3A_117 = arith.muli %parallel_loop3A_69, %parallel_loop3A_116 : i32
      %parallel_loop3A_118 = arith.constant 14336 : i32
      %parallel_loop3A_119 = arith.addi %parallel_loop3A_118, %parallel_loop3A_117 : i32
      %parallel_loop3A_120 = arith.index_cast %parallel_loop3A_119 : i32 to index
      %parallel_loop3A_121 = tpu.vector_load %arg8[%parallel_loop3A_120] {strides = array<i32>} : memref<32768xf32, #tpu.memory_space<vmem>>, vector<16xf32>,
      %parallel_loop3A_122 = arith.addf %parallel_loop3A_115, %parallel_loop3A_121 : vector<16xf32>
      %parallel_loop3A_123 = arith.constant 16 : i32
      %parallel_loop3A_124 = arith.muli %parallel_loop3A_69, %parallel_loop3A_123 : i32
      %parallel_loop3A_125 = arith.constant 16384 : i32
      %parallel_loop3A_126 = arith.addi %parallel_loop3A_125, %parallel_loop3A_124 : i32
      %parallel_loop3A_127 = arith.index_cast %parallel_loop3A_126 : i32 to index
      %parallel_loop3A_128 = tpu.vector_load %arg8[%parallel_loop3A_127] {strides = array<i32>} : memref<32768xf32, #tpu.memory_space<vmem>>, vector<16xf32>,
      %parallel_loop3A_129 = arith.addf %parallel_loop3A_122, %parallel_loop3A_128 : vector<16xf32>
      %parallel_loop3A_130 = arith.constant 16 : i32
      %parallel_loop3A_131 = arith.muli %parallel_loop3A_69, %parallel_loop3A_130 : i32
      %parallel_loop3A_132 = arith.constant 18432 : i32
      %parallel_loop3A_133 = arith.addi %parallel_loop3A_132, %parallel_loop3A_131 : i32
      %parallel_loop3A_134 = arith.index_cast %parallel_loop3A_133 : i32 to index
      %parallel_loop3A_135 = tpu.vector_load %arg8[%parallel_loop3A_134] {strides = array<i32>} : memref<32768xf32, #tpu.memory_space<vmem>>, vector<16xf32>,
      %parallel_loop3A_136 = arith.addf %parallel_loop3A_129, %parallel_loop3A_135 : vector<16xf32>
      %parallel_loop3A_137 = arith.constant 16 : i32
      %parallel_loop3A_138 = arith.muli %parallel_loop3A_69, %parallel_loop3A_137 : i32
      %parallel_loop3A_139 = arith.constant 20480 : i32
      %parallel_loop3A_140 = arith.addi %parallel_loop3A_139, %parallel_loop3A_138 : i32
      %parallel_loop3A_141 = arith.index_cast %parallel_loop3A_140 : i32 to index
      %parallel_loop3A_142 = tpu.vector_load %arg8[%parallel_loop3A_141] {strides = array<i32>} : memref<32768xf32, #tpu.memory_space<vmem>>, vector<16xf32>,
      %parallel_loop3A_143 = arith.addf %parallel_loop3A_136, %parallel_loop3A_142 : vector<16xf32>
      %parallel_loop3A_144 = arith.constant 16 : i32
      %parallel_loop3A_145 = arith.muli %parallel_loop3A_69, %parallel_loop3A_144 : i32
      %parallel_loop3A_146 = arith.constant 22528 : i32
      %parallel_loop3A_147 = arith.addi %parallel_loop3A_146, %parallel_loop3A_145 : i32
      %parallel_loop3A_148 = arith.index_cast %parallel_loop3A_147 : i32 to index
      %parallel_loop3A_149 = tpu.vector_load %arg8[%parallel_loop3A_148] {strides = array<i32>} : memref<32768xf32, #tpu.memory_space<vmem>>, vector<16xf32>,
      %parallel_loop3A_150 = arith.addf %parallel_loop3A_143, %parallel_loop3A_149 : vector<16xf32>
      %parallel_loop3A_151 = arith.constant 16 : i32
      %parallel_loop3A_152 = arith.muli %parallel_loop3A_69, %parallel_loop3A_151 : i32
      %parallel_loop3A_153 = arith.constant 24576 : i32
      %parallel_loop3A_154 = arith.addi %parallel_loop3A_153, %parallel_loop3A_152 : i32
      %parallel_loop3A_155 = arith.index_cast %parallel_loop3A_154 : i32 to index
      %parallel_loop3A_156 = tpu.vector_load %arg8[%parallel_loop3A_155] {strides = array<i32>} : memref<32768xf32, #tpu.memory_space<vmem>>, vector<16xf32>,
      %parallel_loop3A_157 = arith.addf %parallel_loop3A_150, %parallel_loop3A_156 : vector<16xf32>
      %parallel_loop3A_158 = arith.constant 16 : i32
      %parallel_loop3A_159 = arith.muli %parallel_loop3A_69, %parallel_loop3A_158 : i32
      %parallel_loop3A_160 = arith.constant 26624 : i32
      %parallel_loop3A_161 = arith.addi %parallel_loop3A_160, %parallel_loop3A_159 : i32
      %parallel_loop3A_162 = arith.index_cast %parallel_loop3A_161 : i32 to index
      %parallel_loop3A_163 = tpu.vector_load %arg8[%parallel_loop3A_162] {strides = array<i32>} : memref<32768xf32, #tpu.memory_space<vmem>>, vector<16xf32>,
      %parallel_loop3A_164 = arith.addf %parallel_loop3A_157, %parallel_loop3A_163 : vector<16xf32>
      %parallel_loop3A_165 = arith.constant 16 : i32
      %parallel_loop3A_166 = arith.muli %parallel_loop3A_69, %parallel_loop3A_165 : i32
      %parallel_loop3A_167 = arith.constant 28672 : i32
      %parallel_loop3A_168 = arith.addi %parallel_loop3A_167, %parallel_loop3A_166 : i32
      %parallel_loop3A_169 = arith.index_cast %parallel_loop3A_168 : i32 to index
      %parallel_loop3A_170 = tpu.vector_load %arg8[%parallel_loop3A_169] {strides = array<i32>} : memref<32768xf32, #tpu.memory_space<vmem>>, vector<16xf32>,
      %parallel_loop3A_171 = arith.addf %parallel_loop3A_164, %parallel_loop3A_170 : vector<16xf32>
      %parallel_loop3A_172 = arith.constant 16 : i32
      %parallel_loop3A_173 = arith.muli %parallel_loop3A_69, %parallel_loop3A_172 : i32
      %parallel_loop3A_174 = arith.constant 30720 : i32
      %parallel_loop3A_175 = arith.addi %parallel_loop3A_174, %parallel_loop3A_173 : i32
      %parallel_loop3A_176 = arith.index_cast %parallel_loop3A_175 : i32 to index
      %parallel_loop3A_177 = tpu.vector_load %arg8[%parallel_loop3A_176] {strides = array<i32>} : memref<32768xf32, #tpu.memory_space<vmem>>, vector<16xf32>,
      %parallel_loop3A_178 = arith.addf %parallel_loop3A_171, %parallel_loop3A_177 : vector<16xf32>
      %parallel_loop3A_179 = arith.constant 16 : i32
      %parallel_loop3A_180 = arith.muli %parallel_loop3A_69, %parallel_loop3A_179 : i32
      %parallel_loop3A_181 = arith.index_cast %parallel_loop3A_180 : i32 to index
      %parallel_loop3A_182 = tpu.vector_load %arg9[%parallel_loop3A_181] {strides = array<i32>} : memref<2048xf32, #tpu.memory_space<vmem>>, vector<16xf32>,
      tpu.vector_store %arg9[%parallel_loop3A_181], %parallel_loop3A_178 {strides = array<i32>} : memref<2048xf32, #tpu.memory_space<vmem>>, vector<16xf32>,
    } {sc.loop_unroll_factor = 1 : i64, sc.parallel_access}
    "tpu.region"() ({
      %run_scoped3A = tpu.sem_alloc : memref<!tpu.dma_semaphore, #tpu.memory_space<semaphore_mem>>
      %dma_start3A_69 = arith.constant 0 : i32
      %dma_start3A_70 = tpu.memref_slice %arg4[%add3A, %dma_start3A_69] : memref<32x2048xf32, #tpu.memory_space<hbm>> -> memref<1x2048xf32, #tpu.memory_space<hbm>>
      %dma_start3A_71 = tpu.memref_squeeze %dma_start3A_70 : memref<1x2048xf32, #tpu.memory_space<hbm>> -> memref<2048xf32, #tpu.memory_space<hbm>>
      %dma_start3A_72 = arith.constant 0 : i32
      %dma_start3A_73 = tpu.memref_slice %arg4[%add3A, %dma_start3A_72] : memref<32x2048xf32, #tpu.memory_space<hbm>> -> memref<1x2048xf32, #tpu.memory_space<hbm>>
      %dma_start3A_74 = tpu.memref_squeeze %dma_start3A_73 : memref<1x2048xf32, #tpu.memory_space<hbm>> -> memref<2048xf32, #tpu.memory_space<hbm>>
      tpu.enqueue_dma source(%arg9 : memref<2048xf32, #tpu.memory_space<vmem>>) target(%dma_start3A_74 : memref<2048xf32, #tpu.memory_space<hbm>>) target_semaphore(%run_scoped3A : memref<!tpu.dma_semaphore, #tpu.memory_space<semaphore_mem>>)
      %dma_wait3A = arith.constant 0 : i32
      %dma_wait3A_75 = tpu.memref_slice %arg4[%add3A, %dma_wait3A] : memref<32x2048xf32, #tpu.memory_space<hbm>> -> memref<1x2048xf32, #tpu.memory_space<hbm>>
      %dma_wait3A_76 = tpu.memref_squeeze %dma_wait3A_75 : memref<1x2048xf32, #tpu.memory_space<hbm>> -> memref<2048xf32, #tpu.memory_space<hbm>>
      %dma_wait3A_77 = arith.constant 0 : i32
      %dma_wait3A_78 = tpu.memref_slice %arg4[%add3A, %dma_wait3A_77] : memref<32x2048xf32, #tpu.memory_space<hbm>> -> memref<1x2048xf32, #tpu.memory_space<hbm>>
      %dma_wait3A_79 = tpu.memref_squeeze %dma_wait3A_78 : memref<1x2048xf32, #tpu.memory_space<hbm>> -> memref<2048xf32, #tpu.memory_space<hbm>>
      tpu.wait_dma2 semaphore(%run_scoped3A : memref<!tpu.dma_semaphore, #tpu.memory_space<semaphore_mem>>) src(%arg9 : memref<2048xf32, #tpu.memory_space<vmem>>) dst(%dma_wait3A_79 : memref<2048xf32, #tpu.memory_space<hbm>>)
      tpu.yield
    }) : () -> ()
    return
  }
}

module attributes {stable_mosaic.version = 14 : i64} {
  func.func @_final_body(%arg0: memref<4x8x2048xf32, #tpu.memory_space<vmem>>, %arg1: memref<4xf32, #tpu.memory_space<smem>>, %arg2: memref<1xf32, #tpu.memory_space<smem>>) attributes {dimension_semantics = [], scalar_prefetch = 0 : i64, scratch_operands = 0 : i64, tpu.core_type = #tpu.core_type<tc>} {
    %get3A = arith.constant 0 : index
    %get3A_0 = arith.constant 0 : index
    %get3A_1 = arith.constant 0 : index
    %get3A_2 = vector.load %arg0[%get3A, %get3A_0, %get3A_1] : memref<4x8x2048xf32, #tpu.memory_space<vmem>>, vector<4x8x2048xf32>
    %reduce_sum3A = arith.constant dense<0.000000e+00> : vector<8x2048xf32>
    %reduce_sum3A_3 = vector.multi_reduction <add>, %get3A_2, %reduce_sum3A [0] : vector<4x8x2048xf32> to vector<8x2048xf32>
    %slice3A = vector.extract_strided_slice %reduce_sum3A_3 {offsets = [0, 0], sizes = [8, 1024], strides = [1, 1]} : vector<8x2048xf32> to vector<8x1024xf32>
    %slice3A_4 = vector.extract_strided_slice %reduce_sum3A_3 {offsets = [0, 1024], sizes = [8, 1024], strides = [1, 1]} : vector<8x2048xf32> to vector<8x1024xf32>
    %add3A = arith.addf %slice3A, %slice3A_4 : vector<8x1024xf32>
    %iota3A = tpu.iota {dimensions = array<i32: 0>} : vector<1024x1024xi32>
    %iota3A_5 = tpu.iota {dimensions = array<i32: 1>} : vector<1024x1024xi32>
    %ge3A = arith.cmpi sge, %iota3A, %iota3A_5 : vector<1024x1024xi32>
    %convert_element_type3A = arith.extui %ge3A : vector<1024x1024xi1> to vector<1024x1024xi32>
    %convert_element_type3A_6 = arith.sitofp %convert_element_type3A : vector<1024x1024xi32> to vector<1024x1024xf32>
    %dot_general3A = arith.constant dense<0.000000e+00> : vector<8x1024xf32>
    %dot_general3A_7 = tpu.matmul %add3A, %convert_element_type3A_6, %dot_general3A {dimension_numbers = #tpu.dot_dimension_numbers<[1], [0], [0], [1], [0, 0, 1, 1], [], []>, precision = #tpu.contract_precision<fp32>, transpose_lhs_hint = false} : vector<8x1024xf32>, vector<1024x1024xf32>, vector<8x1024xf32> -> vector<8x1024xf32>
    %dot_general3A_8 = arith.constant dense<0.000000e+00> : vector<8x1024xf32>
    %dot_general3A_9 = tpu.matmul %slice3A_4, %convert_element_type3A_6, %dot_general3A_8 {dimension_numbers = #tpu.dot_dimension_numbers<[1], [0], [0], [1], [0, 0, 1, 1], [], []>, precision = #tpu.contract_precision<fp32>, transpose_lhs_hint = false} : vector<8x1024xf32>, vector<1024x1024xf32>, vector<8x1024xf32> -> vector<8x1024xf32>
    %slice3A_10 = vector.extract_strided_slice %dot_general3A_9 {offsets = [0, 0], sizes = [8, 1], strides = [1, 1]} : vector<8x1024xf32> to vector<8x1xf32>
    %gt3A = arith.constant 5.000000e-01 : f32
    %gt3A_11 = vector.broadcast %gt3A : f32 to vector<8x1024xf32>
    %gt3A_12 = arith.cmpf ogt, %dot_general3A_7, %gt3A_11 : vector<8x1024xf32>
    %sub3A = vector.broadcast %slice3A_10 : vector<8x1xf32> to vector<8x1024xf32>
    %sub3A_13 = arith.subf %sub3A, %dot_general3A_9 : vector<8x1024xf32>
    %add3A_14 = vector.broadcast %slice3A_10 : vector<8x1xf32> to vector<8x1024xf32>
    %add3A_15 = arith.addf %add3A_14, %dot_general3A_7 : vector<8x1024xf32>
    %sub3A_16 = arith.subf %add3A_15, %dot_general3A_9 : vector<8x1024xf32>
    %div3A = arith.divf %sub3A_13, %sub3A_16 : vector<8x1024xf32>
    %sub3A_17 = arith.constant 1.000000e+00 : f32
    %sub3A_18 = vector.broadcast %sub3A_17 : f32 to vector<8x1024xf32>
    %sub3A_19 = arith.subf %sub3A_18, %div3A : vector<8x1024xf32>
    %jit3A = arith.constant 0.000000e+00 : f32
    %broadcast_in_dim3A = vector.broadcast %jit3A : f32 to vector<8x1024xf32>
    %select_n3A = arith.select %gt3A_12, %sub3A_19, %broadcast_in_dim3A : vector<8x1024xi1>, vector<8x1024xf32>
    %iota3A_20 = tpu.iota {dimensions = array<i32: 1>} : vector<1x1024xi32>
    %convert_element_type3A_21 = arith.sitofp %iota3A_20 : vector<1x1024xi32> to vector<1x1024xf32>
    %add3A_22 = arith.constant 5.000000e-01 : f32
    %add3A_23 = vector.broadcast %add3A_22 : f32 to vector<1x1024xf32>
    %add3A_24 = arith.addf %convert_element_type3A_21, %add3A_23 : vector<1x1024xf32>
    %mul3A = arith.constant 3.125000e-02 : f32
    %mul3A_25 = vector.broadcast %mul3A : f32 to vector<1x1024xf32>
    %mul3A_26 = arith.mulf %add3A_24, %mul3A_25 : vector<1x1024xf32>
    %add3A_27 = arith.constant -1.600000e+01 : f32
    %add3A_28 = vector.broadcast %add3A_27 : f32 to vector<1x1024xf32>
    %add3A_29 = arith.addf %add3A_28, %mul3A_26 : vector<1x1024xf32>
    %neg3A = arith.constant 0.000000e+00 : f32
    %neg3A_30 = vector.broadcast %neg3A : f32 to vector<1x1024xf32>
    %neg3A_31 = arith.subf %neg3A_30, %add3A_29 : vector<1x1024xf32>
    %exp3A = math.exp %neg3A_31 : vector<1x1024xf32>
    %add3A_32 = arith.constant 1.000000e+00 : f32
    %add3A_33 = vector.broadcast %add3A_32 : f32 to vector<1x1024xf32>
    %add3A_34 = arith.addf %add3A_33, %exp3A : vector<1x1024xf32>
    %div3A_35 = arith.constant 1.000000e+00 : f32
    %div3A_36 = vector.broadcast %div3A_35 : f32 to vector<1x1024xf32>
    %div3A_37 = arith.divf %div3A_36, %add3A_34 : vector<1x1024xf32>
    %sub3A_38 = arith.constant 3.125000e-02 : f32
    %sub3A_39 = vector.broadcast %sub3A_38 : f32 to vector<1x1024xf32>
    %sub3A_40 = arith.subf %add3A_29, %sub3A_39 : vector<1x1024xf32>
    %neg3A_41 = arith.constant 0.000000e+00 : f32
    %neg3A_42 = vector.broadcast %neg3A_41 : f32 to vector<1x1024xf32>
    %neg3A_43 = arith.subf %neg3A_42, %sub3A_40 : vector<1x1024xf32>
    %exp3A_44 = math.exp %neg3A_43 : vector<1x1024xf32>
    %add3A_45 = arith.constant 1.000000e+00 : f32
    %add3A_46 = vector.broadcast %add3A_45 : f32 to vector<1x1024xf32>
    %add3A_47 = arith.addf %add3A_46, %exp3A_44 : vector<1x1024xf32>
    %div3A_48 = arith.constant 1.000000e+00 : f32
    %div3A_49 = vector.broadcast %div3A_48 : f32 to vector<1x1024xf32>
    %div3A_50 = arith.divf %div3A_49, %add3A_47 : vector<1x1024xf32>
    %sub3A_51 = arith.subf %div3A_37, %div3A_50 : vector<1x1024xf32>
    %mul3A_52 = vector.broadcast %sub3A_51 : vector<1x1024xf32> to vector<8x1024xf32>
    %mul3A_53 = arith.mulf %select_n3A, %mul3A_52 : vector<8x1024xf32>
    %reduce_sum3A_54 = arith.constant dense<0.000000e+00> : vector<8xf32>
    %reduce_sum3A_55 = vector.multi_reduction <add>, %mul3A_53, %reduce_sum3A_54 [1] : vector<8x1024xf32> to vector<8xf32>
    %broadcast_in_dim3A_56 = vector.shape_cast %reduce_sum3A_55 : vector<8xf32> to vector<8x1xf32>
    %reduce_sum3A_57 = vector.shape_cast %broadcast_in_dim3A_56 : vector<8x1xf32> to vector<1x8x1xf32>
    %reduce_sum3A_58 = arith.constant dense<0.000000e+00> : vector<1xf32>
    %reduce_sum3A_59 = vector.multi_reduction <add>, %reduce_sum3A_57, %reduce_sum3A_58 [1, 2] : vector<1x8x1xf32> to vector<1xf32>
    %reduce_sum3A_60 = vector.shape_cast %reduce_sum3A_59 : vector<1xf32> to vector<1x1x1xf32>
    %reduce_sum3A_61 = vector.extract %reduce_sum3A_60[0, 0, 0] : f32 from vector<1x1x1xf32>
    %div3A_62 = arith.constant 8.000000e+00 : f32
    %div3A_63 = arith.divf %reduce_sum3A_61, %div3A_62 : f32
    %get3A_64 = arith.constant 0 : index
    %get3A_65 = memref.load %arg1[%get3A_64] : memref<4xf32, #tpu.memory_space<smem>>
    %div3A_66 = arith.constant 0x4A000000 : f32
    %div3A_67 = arith.divf %get3A_65, %div3A_66 : f32
    %get3A_68 = arith.constant 3 : index
    %get3A_69 = memref.load %arg1[%get3A_68] : memref<4xf32, #tpu.memory_space<smem>>
    %mul3A_70 = arith.constant 2.000000e+00 : f32
    %mul3A_71 = arith.mulf %mul3A_70, %get3A_69 : f32
    %add3A_72 = arith.constant 1.000000e+00 : f32
    %add3A_73 = arith.addf %mul3A_71, %add3A_72 : f32
    %get3A_74 = arith.constant 1 : index
    %get3A_75 = memref.load %arg1[%get3A_74] : memref<4xf32, #tpu.memory_space<smem>>
    %get3A_76 = arith.constant 2 : index
    %get3A_77 = memref.load %arg1[%get3A_76] : memref<4xf32, #tpu.memory_space<smem>>
    %add3A_78 = arith.addf %get3A_75, %get3A_77 : f32
    %add3A_79 = arith.constant 1.000000e+00 : f32
    %add3A_80 = arith.addf %add3A_78, %add3A_79 : f32
    %div3A_81 = arith.divf %add3A_73, %add3A_80 : f32
    %sub3A_82 = arith.constant 1.000000e+00 : f32
    %sub3A_83 = arith.subf %sub3A_82, %div3A_81 : f32
    %mul3A_84 = arith.constant 4.000000e-01 : f32
    %mul3A_85 = arith.mulf %mul3A_84, %div3A_67 : f32
    %mul3A_86 = arith.constant 3.000000e-01 : f32
    %mul3A_87 = arith.mulf %mul3A_86, %div3A_63 : f32
    %add3A_88 = arith.addf %mul3A_85, %mul3A_87 : f32
    %mul3A_89 = arith.constant 3.000000e-01 : f32
    %mul3A_90 = arith.mulf %mul3A_89, %sub3A_83 : f32
    %add3A_91 = arith.addf %add3A_88, %mul3A_90 : f32
    %swap3A = arith.constant 0 : index
    %swap3A_92 = memref.load %arg2[%swap3A] : memref<1xf32, #tpu.memory_space<smem>>
    memref.store %add3A_91, %arg2[%swap3A] : memref<1xf32, #tpu.memory_space<smem>>
    return
  }
}

module attributes {stable_mosaic.version = 14 : i64} {
  func.func @_dense_body(%arg0: i32, %arg1: i32, %arg2: memref<1x2x128x512xf32, #tpu.memory_space<vmem>>, %arg3: memref<1x128x512xi32, #tpu.memory_space<vmem>>, %arg4: memref<4xf32, #tpu.memory_space<smem>>) attributes {dimension_semantics = [#tpu.dimension_semantics<arbitrary>, #tpu.dimension_semantics<arbitrary>], iteration_bounds = array<i64: 8, 4>, scalar_prefetch = 0 : i64, scratch_operands = 0 : i64, tpu.core_type = #tpu.core_type<tc>, window_params = [{transform_indices = @transform_0, window_bounds = array<i64: 1, 2, 128, 512>}, {transform_indices = @transform_1, window_bounds = array<i64: 1, 128, 512>}, {transform_indices = @transform_2, window_bounds = array<i64: 4>}]} {
    %get3A = arith.constant 0 : index
    %get3A_0 = arith.constant 0 : index
    %get3A_1 = arith.constant 0 : index
    %get3A_2 = arith.constant 0 : index
    %get3A_3 = vector.load %arg2[%get3A, %get3A_0, %get3A_1, %get3A_2] : memref<1x2x128x512xf32, #tpu.memory_space<vmem>>, vector<1x1x128x512xf32>
    %get3A_4 = vector.shape_cast %get3A_3 : vector<1x1x128x512xf32> to vector<128x512xf32>
    %get3A_5 = arith.constant 0 : index
    %get3A_6 = arith.constant 1 : index
    %get3A_7 = arith.constant 0 : index
    %get3A_8 = arith.constant 0 : index
    %get3A_9 = vector.load %arg2[%get3A_5, %get3A_6, %get3A_7, %get3A_8] : memref<1x2x128x512xf32, #tpu.memory_space<vmem>>, vector<1x1x128x512xf32>
    %get3A_10 = vector.shape_cast %get3A_9 : vector<1x1x128x512xf32> to vector<128x512xf32>
    %get3A_11 = arith.constant 0 : index
    %get3A_12 = arith.constant 0 : index
    %get3A_13 = arith.constant 0 : index
    %get3A_14 = vector.load %arg3[%get3A_11, %get3A_12, %get3A_13] : memref<1x128x512xi32, #tpu.memory_space<vmem>>, vector<1x128x512xi32>
    %get3A_15 = vector.shape_cast %get3A_14 : vector<1x128x512xi32> to vector<128x512xi32>
    %convert_element_type3A = arith.sitofp %get3A_15 : vector<128x512xi32> to vector<128x512xf32>
    %sub3A = arith.subf %get3A_10, %get3A_4 : vector<128x512xf32>
    %abs3A = math.absf %sub3A : vector<128x512xf32>
    %neg3A = arith.constant 0.000000e+00 : f32
    %neg3A_16 = vector.broadcast %neg3A : f32 to vector<128x512xf32>
    %neg3A_17 = arith.subf %neg3A_16, %abs3A : vector<128x512xf32>
    %exp3A = math.exp %neg3A_17 : vector<128x512xf32>
    %add3A = arith.constant 1.000000e+00 : f32
    %add3A_18 = vector.broadcast %add3A : f32 to vector<128x512xf32>
    %add3A_19 = arith.addf %add3A_18, %exp3A : vector<128x512xf32>
    %div3A = arith.constant 1.000000e+00 : f32
    %div3A_20 = vector.broadcast %div3A : f32 to vector<128x512xf32>
    %div3A_21 = arith.divf %div3A_20, %add3A_19 : vector<128x512xf32>
    %ge3A = arith.constant 0.000000e+00 : f32
    %ge3A_22 = vector.broadcast %ge3A : f32 to vector<128x512xf32>
    %ge3A_23 = arith.cmpf oge, %sub3A, %ge3A_22 : vector<128x512xf32>
    %mul3A = arith.mulf %exp3A, %div3A_21 : vector<128x512xf32>
    %select_n3A = arith.select %ge3A_23, %div3A_21, %mul3A : vector<128x512xi1>, vector<128x512xf32>
    %mul3A_24 = arith.constant 2.000000e+00 : f32
    %mul3A_25 = vector.broadcast %mul3A_24 : f32 to vector<128x512xf32>
    %mul3A_26 = arith.mulf %mul3A_25, %convert_element_type3A : vector<128x512xf32>
    %sub3A_27 = arith.constant 1.000000e+00 : f32
    %sub3A_28 = vector.broadcast %sub3A_27 : f32 to vector<128x512xf32>
    %sub3A_29 = arith.subf %sub3A_28, %mul3A_26 : vector<128x512xf32>
    %mul3A_30 = arith.mulf %sub3A_29, %sub3A : vector<128x512xf32>
    %max3A = arith.constant 0.000000e+00 : f32
    %max3A_31 = vector.broadcast %max3A : f32 to vector<128x512xf32>
    %max3A_32 = arith.maximumf %mul3A_30, %max3A_31 : vector<128x512xf32>
    %add3A_33 = arith.constant 1.000000e+00 : f32
    %add3A_34 = vector.broadcast %add3A_33 : f32 to vector<128x512xf32>
    %add3A_35 = arith.addf %add3A_34, %exp3A : vector<128x512xf32>
    %log3A = math.log %add3A_35 : vector<128x512xf32>
    %add3A_36 = arith.addf %max3A_32, %log3A : vector<128x512xf32>
    %eq3A = arith.constant 0 : i32
    %eq3A_37 = arith.cmpi eq, %arg0, %eq3A : i32
    %eq3A_38 = arith.constant 0 : i32
    %eq3A_39 = arith.cmpi eq, %arg1, %eq3A_38 : i32
    %and3A = arith.andi %eq3A_37, %eq3A_39 : i1
    %convert_element_type3A_40 = arith.extui %and3A : i1 to i32
    %cond3A = arith.constant 0 : i32
    %cond3A_41 = arith.cmpi ne, %convert_element_type3A_40, %cond3A : i32
    scf.if %cond3A_41 {
      %swap3A_81 = arith.constant 0.000000e+00 : f32
      %swap3A_82 = arith.constant 0 : index
      %swap3A_83 = memref.load %arg4[%swap3A_82] : memref<4xf32, #tpu.memory_space<smem>>
      memref.store %swap3A_81, %arg4[%swap3A_82] : memref<4xf32, #tpu.memory_space<smem>>
      %swap3A_84 = arith.constant 0.000000e+00 : f32
      %swap3A_85 = arith.constant 1 : index
      %swap3A_86 = memref.load %arg4[%swap3A_85] : memref<4xf32, #tpu.memory_space<smem>>
      memref.store %swap3A_84, %arg4[%swap3A_85] : memref<4xf32, #tpu.memory_space<smem>>
      %swap3A_87 = arith.constant 0.000000e+00 : f32
      %swap3A_88 = arith.constant 2 : index
      %swap3A_89 = memref.load %arg4[%swap3A_88] : memref<4xf32, #tpu.memory_space<smem>>
      memref.store %swap3A_87, %arg4[%swap3A_88] : memref<4xf32, #tpu.memory_space<smem>>
      %swap3A_90 = arith.constant 0.000000e+00 : f32
      %swap3A_91 = arith.constant 3 : index
      %swap3A_92 = memref.load %arg4[%swap3A_91] : memref<4xf32, #tpu.memory_space<smem>>
      memref.store %swap3A_90, %arg4[%swap3A_91] : memref<4xf32, #tpu.memory_space<smem>>
    } else {
    }
    %get3A_42 = arith.constant 0 : index
    %get3A_43 = memref.load %arg4[%get3A_42] : memref<4xf32, #tpu.memory_space<smem>>
    %reduce_sum3A = vector.shape_cast %add3A_36 : vector<128x512xf32> to vector<1x128x512xf32>
    %reduce_sum3A_44 = arith.constant dense<0.000000e+00> : vector<1xf32>
    %reduce_sum3A_45 = vector.multi_reduction <add>, %reduce_sum3A, %reduce_sum3A_44 [1, 2] : vector<1x128x512xf32> to vector<1xf32>
    %reduce_sum3A_46 = vector.shape_cast %reduce_sum3A_45 : vector<1xf32> to vector<1x1x1xf32>
    %reduce_sum3A_47 = vector.extract %reduce_sum3A_46[0, 0, 0] : f32 from vector<1x1x1xf32>
    %add3A_48 = arith.addf %get3A_43, %reduce_sum3A_47 : f32
    %swap3A = arith.constant 0 : index
    %swap3A_49 = memref.load %arg4[%swap3A] : memref<4xf32, #tpu.memory_space<smem>>
    memref.store %add3A_48, %arg4[%swap3A] : memref<4xf32, #tpu.memory_space<smem>>
    %get3A_50 = arith.constant 1 : index
    %get3A_51 = memref.load %arg4[%get3A_50] : memref<4xf32, #tpu.memory_space<smem>>
    %reduce_sum3A_52 = vector.shape_cast %select_n3A : vector<128x512xf32> to vector<1x128x512xf32>
    %reduce_sum3A_53 = arith.constant dense<0.000000e+00> : vector<1xf32>
    %reduce_sum3A_54 = vector.multi_reduction <add>, %reduce_sum3A_52, %reduce_sum3A_53 [1, 2] : vector<1x128x512xf32> to vector<1xf32>
    %reduce_sum3A_55 = vector.shape_cast %reduce_sum3A_54 : vector<1xf32> to vector<1x1x1xf32>
    %reduce_sum3A_56 = vector.extract %reduce_sum3A_55[0, 0, 0] : f32 from vector<1x1x1xf32>
    %add3A_57 = arith.addf %get3A_51, %reduce_sum3A_56 : f32
    %swap3A_58 = arith.constant 1 : index
    %swap3A_59 = memref.load %arg4[%swap3A_58] : memref<4xf32, #tpu.memory_space<smem>>
    memref.store %add3A_57, %arg4[%swap3A_58] : memref<4xf32, #tpu.memory_space<smem>>
    %get3A_60 = arith.constant 2 : index
    %get3A_61 = memref.load %arg4[%get3A_60] : memref<4xf32, #tpu.memory_space<smem>>
    %reduce_sum3A_62 = vector.shape_cast %convert_element_type3A : vector<128x512xf32> to vector<1x128x512xf32>
    %reduce_sum3A_63 = arith.constant dense<0.000000e+00> : vector<1xf32>
    %reduce_sum3A_64 = vector.multi_reduction <add>, %reduce_sum3A_62, %reduce_sum3A_63 [1, 2] : vector<1x128x512xf32> to vector<1xf32>
    %reduce_sum3A_65 = vector.shape_cast %reduce_sum3A_64 : vector<1xf32> to vector<1x1x1xf32>
    %reduce_sum3A_66 = vector.extract %reduce_sum3A_65[0, 0, 0] : f32 from vector<1x1x1xf32>
    %add3A_67 = arith.addf %get3A_61, %reduce_sum3A_66 : f32
    %swap3A_68 = arith.constant 2 : index
    %swap3A_69 = memref.load %arg4[%swap3A_68] : memref<4xf32, #tpu.memory_space<smem>>
    memref.store %add3A_67, %arg4[%swap3A_68] : memref<4xf32, #tpu.memory_space<smem>>
    %get3A_70 = arith.constant 3 : index
    %get3A_71 = memref.load %arg4[%get3A_70] : memref<4xf32, #tpu.memory_space<smem>>
    %mul3A_72 = arith.mulf %select_n3A, %convert_element_type3A : vector<128x512xf32>
    %reduce_sum3A_73 = vector.shape_cast %mul3A_72 : vector<128x512xf32> to vector<1x128x512xf32>
    %reduce_sum3A_74 = arith.constant dense<0.000000e+00> : vector<1xf32>
    %reduce_sum3A_75 = vector.multi_reduction <add>, %reduce_sum3A_73, %reduce_sum3A_74 [1, 2] : vector<1x128x512xf32> to vector<1xf32>
    %reduce_sum3A_76 = vector.shape_cast %reduce_sum3A_75 : vector<1xf32> to vector<1x1x1xf32>
    %reduce_sum3A_77 = vector.extract %reduce_sum3A_76[0, 0, 0] : f32 from vector<1x1x1xf32>
    %add3A_78 = arith.addf %get3A_71, %reduce_sum3A_77 : f32
    %swap3A_79 = arith.constant 3 : index
    %swap3A_80 = memref.load %arg4[%swap3A_79] : memref<4xf32, #tpu.memory_space<smem>>
    memref.store %add3A_78, %arg4[%swap3A_79] : memref<4xf32, #tpu.memory_space<smem>>
    return
  }
  func.func @transform_0(%arg0: i32, %arg1: i32) -> (i32, i32, i32, i32) {
    %c0_i32 = arith.constant 0 : i32
    %c0_i32_0 = arith.constant 0 : i32
    %c0_i32_1 = arith.constant 0 : i32
    return %arg0, %c0_i32, %arg1, %c0_i32_0 : i32, i32, i32, i32
  }
  func.func @transform_1(%arg0: i32, %arg1: i32) -> (i32, i32, i32) {
    %c0_i32 = arith.constant 0 : i32
    %c0_i32_0 = arith.constant 0 : i32
    return %arg0, %arg1, %c0_i32 : i32, i32, i32
  }
  func.func @transform_2(%arg0: i32, %arg1: i32) -> i32 {
    %c0_i32 = arith.constant 0 : i32
    %c0_i32_0 = arith.constant 0 : i32
    return %c0_i32 : i32
  }
}

</mosaic_0001>

<sc_bundles>
// kernel: kernel.5.cloned.1.call-start
scs
__scs_entry_jumppad:
0x0: {  	(pc) =	sbr.rel $0x88, $3  }
0x1: {  	(tag) =	ssettag $0x0;
	lr =	simm.s32 $0x1  }
0x2: {  	[smem:$0x3F9F] =	sst lr;
	_ =	strace $0xD0000000  }
0x3: {  	_ = 	snop  }
0x4: {  	_ = 	snop  }
0x5: {  	_ = 	snop  }
0x6: {  	_ = 	snop  }
0x7: {  	_ = 	snop  }
__scs_overlays_trampoline_lowered:
0x8: {  	[smem:$0x3FAE] =	sst s0  }
0x9: {  	[smem:$0x3FAF] =	sst s1  }
0xa: {  	[smem:$0x3FB0] =	sst s2  }
0xb: {  	[smem:$0x3FB1] =	sst s3  }
0xc: {  	[smem:$0x3FB2] =	sst s4  }
0xd: {  	[smem:$0x3FB3] =	sst s5  }
0xe: {  	[smem:$0x3FB4] =	sst s6  }
0xf: {  	[smem:$0x3FB5] =	sst s7  }
0x10: {  	[smem:$0x3FB6] =	sst s8  }
0x11: {  	[smem:$0x3FB7] =	sst s9;
	s0 =	simm.s32 @!p0 $0x0  }
0x12: {  	s1 =	sld [smem:$0x3F9D];
	s0 =	simm.s32 @p0 $0x1  }
0x13: {  	[smem:$0x3FB8] =	sst s0;
	s0 =	simm.s32 @!p1 $0x0  }
0x14: {  	s2 =	sld [smem:$0x3F9C];
	s0 =	simm.s32 @p1 $0x1  }
0x15: {  	[smem:$0x3FB9] =	sst s0;
	s0 =	simm.s32 @!p2 $0x0  }
0x16: {  	s3 =	sld [smem:$0x3FDB];
	s0 =	simm.s32 @p2 $0x1  }
0x17: {  	s4 =	simm.s32 $0x1BF5;
	[smem:$0x3FBB] =	sst s0  }
0x18: {  	s0 =	sld [smem:$0x3F9E];
	_ =	swait.ge [sflag:s4], $0x0  }
0x19: {  	s7 =	sld [smem:$0x3F9F]  }
0x1a: {  	s8 =	sadd.s32 $0xFFFFE003, lr  }
0x1b: {  	s9 =	sadd.s32 $0xFFFFFEF7, lr;
	s5 =	simm.s32 $0xFFFFFFFF;
	p2 =	slt.u32 s8, $0xFFFFF086  }
0x1c: {  	p1 =	slt.u32 s9, $0xF7A;
	s5 =	simm.s32 @!p2 $0x0  }
0x1d: {  	s5 =	simm.s32 @p1 $0x1;
	p0 =	seq.s32 s7, s2  }
0x1e: {  	s7 =	smul.u32 @!p0 $0xF7A, s2;
	p2 =	seq.s32 @!p0 s5, $0x0  }
0x1f: {  	s9 =	smul.u32 $0xF7A, s1;
	s8 =	simm.s32 @!p0 $0x1BF5;
	p2 =	por !p2, p0  }
0x20: {  	[sflag:s8] =	ssyncset.s32 @!p0 $0xFFFFF086;
	s6 =	sadd.s32 @!p0 s3, s7;
	s7 =	simm.s32 @!p0 $0x108  }
0x21: {  	s3 =	sadd.s32 s3, s9;
	s6 =	sadd.s32 @!p0 $0x88, s6;
	s7 =	simm.s32 @p2 $0x1082  }
0x22: {  	[simem:s7], [sflag:s8] =	dma.local @!p0 [hbm:s6], $0xF7A  }
0x23: {  	s9 =	sor.u32 $0xD0000000, s2;
	s6 =	simm.s32 $0x108;
	_ =	swait.ge @!p0 [sflag:s8], $0x0  }
0x24: {  	s3 =	sadd.s32 $0x88, s3;
	s6 =	simm.s32 @!p1 $0x1082;
	[sflag:s4] =	ssyncset.s32 $0xFFFFF086  }
0x25: {  	[simem:s6], [sflag:s4] =	dma.local [hbm:s3], $0xF7A  }
0x26: {  	[smem:$0x3F9F] =	sst s1;
	(tag) =	ssettag s2;
	_ =	strace s9  }
0x27: {  	s1 =	sld [smem:$0x3FAF]  }
0x28: {  	s2 =	sld [smem:$0x3FB0]  }
0x29: {  	s4 =	sld [smem:$0x3FB2]  }
0x2a: {  	p0 =	seq.s32 s5, $0x0;
	s5 =	sld [smem:$0x3FB3]  }
0x2b: {  	s6 =	sld [smem:$0x3FB4]  }
0x2c: {  	s7 =	sld [smem:$0x3FB5]  }
0x2d: {  	s3 =	simm.s32 $0x108;
	s8 =	sld [smem:$0x3FB6]  }
0x2e: {  	s3 =	simm.s32 @!p0 $0x1082;
	s9 =	sld [smem:$0x3FB7]  }
0x2f: {  	lr =	sadd.s32 s0, s3;
	s0 =	sld [smem:$0x3FAE]  }
0x30: {  	s3 =	sld [smem:$0x3FB1]  }
0x31: {  	[smem:$0x3FBA] =	sst s10  }
0x32: {  	s10 =	sld [smem:$0x3FB8];
	_ =	sdelay $0x3  }
0x33: {  	p0 =	seq.s32 s10, $0x1;
	s10 =	sld [smem:$0x3FBA];
	_ =	sdelay $0x3  }
0x34: {  	[smem:$0x3FBA] =	sst s10  }
0x35: {  	s10 =	sld [smem:$0x3FB9];
	_ =	sdelay $0x3  }
0x36: {  	p1 =	seq.s32 s10, $0x1;
	s10 =	sld [smem:$0x3FBA];
	_ =	sdelay $0x3  }
0x37: {  	[smem:$0x3FBA] =	sst s10  }
0x38: {  	s10 =	sld [smem:$0x3FBB]  }
0x39: {  	_ = 	snop;
	(pc) =	sbr.ind lr, $3  }
0x3a: {  	_ = 	snop  }
0x3b: {  	_ = 	snop  }
0x3c: {  	p2 =	seq.s32 s10, $0x1;
	s10 =	sld [smem:$0x3FBA]  }
0x3d: {  	_ =	shalt  }
0x3e: {  	_ =	shalt  }
0x3f: {  	_ =	shalt  }
0x40: {  	_ =	shalt  }
0x41: {  	_ =	shalt  }
0x42: {  	_ =	shalt  }
0x43: {  	_ =	shalt  }
0x44: {  	_ =	shalt  }
0x45: {  	_ =	shalt  }
0x46: {  	_ =	shalt  }
0x47: {  	_ =	shalt  }
0x48: {  	_ =	shalt  }
0x49: {  	_ =	shalt  }
0x4a: {  	_ =	shalt  }
0x4b: {  	_ =	shalt  }
0x4c: {  	_ =	shalt  }
0x4d: {  	_ =	shalt  }
0x4e: {  	_ =	shalt  }
0x4f: {  	_ =	shalt  }
0x50: {  	_ =	shalt  }
0x51: {  	_ =	shalt  }
0x52: {  	_ =	shalt  }
0x53: {  	_ =	shalt  }
0x54: {  	_ =	shalt  }
0x55: {  	_ =	shalt  }
0x56: {  	_ =	shalt  }
0x57: {  	_ =	shalt  }
0x58: {  	_ =	shalt  }
0x59: {  	_ =	shalt  }
0x5a: {  	_ =	shalt  }
0x5b: {  	_ =	shalt  }
0x5c: {  	_ =	shalt  }
0x5d: {  	_ =	shalt  }
0x5e: {  	_ =	shalt  }
0x5f: {  	_ =	shalt  }
0x60: {  	_ =	shalt  }
0x61: {  	_ =	shalt  }
0x62: {  	_ =	shalt  }
0x63: {  	_ =	shalt  }
0x64: {  	_ =	shalt  }
0x65: {  	_ =	shalt  }
0x66: {  	_ =	shalt  }
0x67: {  	_ =	shalt  }
0x68: {  	_ =	shalt  }
0x69: {  	_ =	shalt  }
0x6a: {  	_ =	shalt  }
0x6b: {  	_ =	shalt  }
0x6c: {  	_ =	shalt  }
0x6d: {  	_ =	shalt  }
0x6e: {  	_ =	shalt  }
0x6f: {  	_ =	shalt  }
0x70: {  	_ =	shalt  }
0x71: {  	_ =	shalt  }
0x72: {  	_ =	shalt  }
0x73: {  	_ =	shalt  }
0x74: {  	_ =	shalt  }
0x75: {  	_ =	shalt  }
0x76: {  	_ =	shalt  }
0x77: {  	_ =	shalt  }
0x78: {  	_ =	shalt  }
0x79: {  	_ =	shalt  }
0x7a: {  	_ =	shalt  }
0x7b: {  	_ =	shalt  }
0x7c: {  	_ =	shalt  }
0x7d: {  	_ =	shalt  }
0x7e: {  	_ =	shalt  }
0x7f: {  	_ =	shalt  }
0x80: {  	_ =	shalt  }
0x81: {  	_ =	shalt  }
0x82: {  	_ =	shalt  }
0x83: {  	_ =	shalt  }
0x84: {  	_ =	shalt  }
0x85: {  	_ =	shalt  }
0x86: {  	_ =	shalt  }
0x87: {  	_ =	shalt  }
.Lfunc_end0:
.L_simem_size_0:
called_computation_lowered:
.L_overlay_start_0:
0x88: {  	s2 =	sld [smem:$0x3FD9]  }
0x89: {  	s3 =	sld [smem:$0x3FFE];
	_ =	sdelay $0x1  }
0x8a: {  	s1 =	srdreg.scid  }
0x8b: {  	s0 =	sand.u32 $0x1, s1  }
0x8c: {  	s17 =	sshll.u32 s0, $0xA;
	s2 =	sadd.s32 s3, s2  }
0x8d: {  	s2 =	sadd.s32 s2, s17  }
0x8e: {  	[smem:$0x3FC6] =	sst s2  }
0x8f: {  	_ = 	snop  }
0x90: {  	s2 =	sld [smem:$0x3FC9]  }
0x91: {  	s18 =	sld [smem:$0x3FC8];
	(tm) =	ssettm $0x1  }
0x92: {  	s4 =	sld [smem:$0x3FFB];
	_ =	sdelay $0x3  }
0x93: {  	_ =	strace s4  }
0x94: {  	s4 =	sld [smem:$0x3FFC];
	_ =	sdelay $0x3  }
0x95: {  	_ =	strace s4  }
0x96: {  	s4 =	sld [smem:$0x3FFD];
	_ =	sdelay $0x3  }
0x97: {  	_ =	strace s4  }
0x98: {  	_ =	strace $0x8FFFFFFF  }
0x99: {  	s19 =	sld [smem:$0x3FDB];
	_ =	sdelay $0x1  }
0x9a: {  	s5 =	simm.s32 $_scs_section_size  }
0x9b: {  	s6 =	simm.s32 $_size__tile_overlayer_lowered;
	s7 =	simm.s32 $_tile_overlayer_lowered  }
0x9c: {  	s22 =	simm.s32 $0x1BFF;
	s21 =	sshll.u32 s7, $0x1;
	s4 =	sadd.s32 s5, s19  }
0x9d: {  	s8 =	simm.s32 $0x0;
	s20 =	sshll.u32 s6, $0x1;
	s6 =	sadd.s32 s21, s4  }
0x9e: {  	[timem:s8], [sflag:s22] =	dma.local [hbm:s6], s20  }
0x9f: {  	_ =	swait.ge [sflag:s22], s20  }
0xa0: {  	s5 =	ssub.s32 $0x0, s20;
	[sflag:s22] =	ssyncset.done $0x0  }
0xa1: {  	[sflag:s22] =	ssyncadd.s32 s5;
	_ =	sdelay $0x1  }
0xa2: {  	s23 =	simm.s32 $0x1B8B  }
0xa3: {  	_ =	swait.ge [sflag:s23], $0x1  }
0xa4: {  	[sflag:s23] =	ssyncset.done $0x0  }
0xa5: {  	s25 =	simm.s32 $0x1B8E;
	s24 =	sld [smem:$0x3FFE];
	[sflag:s23] =	ssyncadd.s32 $0xFFFFFFFF  }
0xa6: {  	s26 =	simm.s32 $execute0_lowered;
	[smem:$0x3FD2] =	sst s25  }
0xa7: {  	s6 =	sshll.u32 s26, $0x1;
	_ =	strace $0x80000046;
	[dreg:$0x1] =	wrdreg $0xFFFFFFFF  }
0xa8: {  	s28 =	simm.s32 $_size_execute0_lowered;
	s4 =	sadd.s32 s4, s6;
	[dreg:$0x0] =	wrdreg $0x0  }
0xa9: {  	s6 =	sshll.u32 s28, $0x1;
	[dreg:$0x2] =	wrdreg s4  }
0xaa: {  	[dreg:$0x3] =	wrdreg s6  }
0xab: {  	[dreg:$0x4] =	wrdreg $0xC0  }
0xac: {  	_ =	task [dreg:s8], $0x5FFFF  }
0xad: {  	[dreg:$0x1] =	wrdreg $0xFFFFFFFF  }
0xae: {  	[dreg:$0x0] =	wrdreg $0x60  }
0xaf: {  	[dreg:$0x2] =	wrdreg s2  }
0xb0: {  	[dreg:$0x3] =	wrdreg s18  }
0xb1: {  	[dreg:$0x4] =	wrdreg s24  }
0xb2: {  	[dreg:$0x5] =	wrdreg $0x9  }
0xb3: {  	_ =	task.clear_ibuf [dreg:s8], $0x6FFFF;
	_ =	strace $0x90000046  }
0xb4: {  	s29 =	simm.s32 $0x9;
	_ =	strace $0x80000048  }
0xb5: {  	_ =	swait.ge [sflag:s29], $0x1  }
0xb6: {  	[sflag:s29] =	ssyncadd.s32 $0xFFFFFFFF  }
0xb7: {  	_ =	strace $0x90000048  }
0xb8: {  	_ =	sfence  }
0xb9: {  	s30 =	sld [smem:$0x0];
	_ =	sdelay $0x2  }
0xba: {  	s31 =	sshll.u32 s1, $0xD;
	s1 =	sshrl.u32 s1, $0x2  }
0xbb: {  	s3 =	sand.u32 $0x4000, s31;
	s1 =	sadd.s32 s1, s30  }
0xbc: {  	s0 =	sor.u32 s3, s0;
	s1 =	sshll.u32 s1, $0x11  }
0xbd: {  	s0 =	sor.u32 s1, s0  }
0xbe: {  	s0 =	sadd.s32 $0x8F2B, s0  }
0xbf: {  	[sflag:s0] =	ssyncadd.remote.s32 $0x1  }
0xc0: {  	_ =	sfence.sel $0xFFFF  }
0xc1: {  	[dreg:$0x0] =	wrdreg $0xFFFFFFFF;
	(pc) =	sbr.abs _section_cstart, $3  }
0xc2: {  	[dreg:$0x1] =	wrdreg $0xFFFFFFFF  }
0xc3: {  	_ =	task.clear_ibuf [dreg:s8], $0x2FFFF;
	_ =	strace $0x9FFFFFFF  }
0xc4: {  	(tm) =	ssettm $0x7FFFFFFF  }
0xc5: {  	_ =	shalt  }
tec
execute0_lowered:
.L_overlay_start_1:
0x0: {  	(tag) =	ssettag $0x1  }
0x1: {  	s6 =	rddreg [dreg:$0x0]  }
0x2: {  	s7 =	rddreg [dreg:$0x1]  }
0x3: {  	s0 =	rddreg [dreg:$0x2];
	s1 =	simm.s32 $0x0;
	s5 =	stileid.u32  }
0x4: {  	s2 =	srdreg.scid;
	[smem:$0x7FF] =	sst s1  }
0x5: {  	s22 =	sshll.u32 s5, $0x9;
	s2 =	sand.u32 $0x1, s2;
	s3 =	sshll.u32 s5, $0x1  }
0x6: {  	s5 =	sshll.u32 s5, $0xE;
	_ =	strace $0x80000047;
	s1 =	sand.u32 $0x1800, s22  }
0x7: {  	s23 =	ssub.s32 $0x2, s2;
	s2 =	sor.u32 s2, s3;
	s5 =	sand.u32 $0x30000, s5  }
0x8: {  	s0 =	sadd.s32 s1, s0;
	s24 =	sshrl.u32 s23, $0x1;
	s4 =	sand.u32 $0x7, s2  }
0x9: {  	s2 =	sshll.u32 s2, $0x4;
	[dreg:$0xb] =	wrdreg s5;
	s25 =	sshll.u32 s4, $0x13  }
0xa: {  	s1 =	ssub.s32 s23, s24;
	s4 =	sshll.u32 s4, $0x12;
	[dreg:$0xc] =	wrdreg s25  }
0xb: {  	s2 =	sand.u32 $0x70, s2;
	s3 =	sor.u32 s5, s25;
	[dreg:$0xd] =	wrdreg s4  }
0xc: {  	s4 =	sor.u32 s5, s4;
	s0 =	sadd.s32 s2, s0;
	s31 =	smax.u32 s1, $0x1  }
0xd: {  	s3 =	sshrl.u32 s3, $0x3;
	s0 =	sadd.s32 $0x800, s0;
	[dreg:$0x12] =	wrdreg s31  }
0xe: {  	s28 =	sshrl.u32 s4, $0x3;
	s26 =	sadd.s32 s6, s3;
	[dreg:$0x11] =	wrdreg s0  }
0xf: {  	s30 =	sadd.s32 s7, s28;
	[dreg:$0xe] =	wrdreg s26  }
0x10: {  	v1 =	vlaneseq.u32;
	s29 =	sadd.s32 $0x8000, s26;
	[dreg:$0x10] =	wrdreg s30  }
0x11: {  	s13 =	simm.s32 $0xC000;
	v0 =	vimm.f32 $0.0e+00;
	v2 =	vimm.f32 $1.000000000e+00;
	v1 =	vmul.u32 $0x800, v1;
	s2 =	simm.s32 $0x0;
	[dreg:$0xf] =	wrdreg s29  }
.LBB2_1:
0x12: {  	s0 =	simm.s32 $0x0;
	s1 =	rddreg [dreg:$0xe]  }
0x13: {  	[tilespmem:s0], [sflag:$0x1] =	stream.linear.gather [hbm4b:s1+s0], $0x2000, $0x38;
	[tilespmem:$0x14800] =	vst v63  }
0x14: {  	s28 =	rddreg [dreg:$0xf];
	s29 =	simm.s32 $0x4000  }
0x15: {  	[tilespmem:s29], [sflag:$0x2] =	stream.linear.gather [hbm4b:s28+s0], $0x2000, $0x38;
	[tilespmem:$0x14800] =	vst v63  }
0x16: {  	s30 =	rddreg [dreg:$0x10];
	s31 =	simm.s32 $0x8000  }
0x17: {  	[tilespmem:s31], [sflag:$0x3] =	stream.linear.gather [hbm4b:s30+s0], $0x2000, $0x38;
	[tilespmem:$0x14800] =	vst v63  }
0x18: {  	[dreg:$0x13] =	wrdreg s2;
	s0 =	simm.s32 $0xC040  }
0x19: {  	[tilespmem:s0+$0xFFFFFFC0] =	vst v0  }
0x1a: {  	[tilespmem:s0+$0x30] =	vst v0  }
0x1b: {  	[tilespmem:s0+$0x20] =	vst v0  }
0x1c: {  	[tilespmem:s0+$0x10] =	vst v0  }
0x1d: {  	[tilespmem:s0+$0x0] =	vst v0  }
0x1e: {  	[tilespmem:s0+$0xFFFFFFF0] =	vst v0  }
0x1f: {  	s1 =	simm.s32 $0x0;
	[tilespmem:s0+$0xFFFFFFE0] =	vst v0  }
.LBB2_2:
0x20: {  	s1 =	sadd.s32 $0x8, s1;
	[tilespmem:s0+$0xFFFFFFD0] =	vst v0;
	s0 =	sadd.s32 $0x80, s0  }
0x21: {  	[tilespmem:s0+$0xFFFFFFC0] =	vst v0;
	p0 =	slt.u32 s1, $0x7F8  }
0x22: {  	[tilespmem:s0+$0x30] =	vst v0  }
.Ltmp0:
0x23: {  	[tilespmem:s0+$0x20] =	vst v0;
	(pc) =	sbr.rel @p0 .LBB2_2-.Ltmp0, $4  }
0x24: {  	[tilespmem:s0+$0x10] =	vst v0  }
0x25: {  	[tilespmem:s0+$0x0] =	vst v0  }
0x26: {  	[tilespmem:s0+$0xFFFFFFF0] =	vst v0  }
0x27: {  	[tilespmem:s0+$0xFFFFFFE0] =	vst v0  }
0x28: {  	[tilespmem:s0+$0xFFFFFFD0] =	vst v0;
	s0 =	simm.s32 $0x0  }
.LBB2_4:
0x29: {  	s1 =	sadd.s32 $0x1, s0;
	p0 =	seq.s32 s0, $0x7;
	s2 =	rddreg [dreg:$0xb]  }
0x2a: {  	s0 =	sand.u32 $0x1, s0;
	[dreg:$0x14] =	wrdreg s1;
	s1 =	sshll.u32 @!p0 s1, $0xD  }
0x2b: {  	p2 =	seq.s32 @!p0 s0, $0x0;
	s1 =	sadd.s32 @!p0 s2, s1;
	s2 =	rddreg [dreg:$0xc]  }
0x2c: {  	p1 =	por !p2, p0;
	s2 =	sor.u32 @!p0 s2, s1  }
0x2d: {  	s7 =	rddreg [dreg:$0x0];
	s5 =	simm.s32 @!p1 $0x0;
	s3 =	sshrl.u32 @!p0 s2, $0x3  }
0x2e: {  	s6 =	simm.s32 @!p1 $0x2000;
	s4 =	sadd.s32 @!p0 s7, s3;
	s3 =	sor.u32 @!p1 $0x8000, s3  }
0x2f: {  	[tilespmem:s6], [sflag:$0x4] =	stream.linear.gather @!p1 [hbm4b:s4+s5], $0x2000, $0x38;
	[tilespmem:$0x14800] =	vst v63  }
0x30: {  	s9 =	rddreg [dreg:$0xd];
	s3 =	sadd.s32 @!p1 s7, s3;
	s6 =	simm.s32 @!p1 $0x6000  }
0x31: {  	[tilespmem:s6], [sflag:$0x5] =	stream.linear.gather @!p1 [hbm4b:s3+s5], $0x2000, $0x38;
	[tilespmem:$0x14800] =	vst v63  }
0x32: {  	s3 =	sor.u32 @!p1 s9, s1  }
0x33: {  	s8 =	rddreg [dreg:$0x1];
	p2 =	por p2, p0;
	s3 =	sshrl.u32 @!p1 s3, $0x3  }
0x34: {  	s2 =	sshrl.u32 @!p2 s2, $0x3;
	s6 =	simm.s32 @!p1 $0xA000;
	s3 =	sadd.s32 @!p1 s8, s3  }
0x35: {  	[tilespmem:s6], [sflag:$0x6] =	stream.linear.gather @!p1 [hbm4b:s3+s5], $0x2000, $0x38;
	[tilespmem:$0x14800] =	vst v63  }
0x36: {  	s2 =	sadd.s32 @!p2 s7, s2;
	s3 =	simm.s32 @!p2 $0x0  }
0x37: {  	[tilespmem:s3], [sflag:$0x1] =	stream.linear.gather @!p2 [hbm4b:s4+s3], $0x2000, $0x38;
	[tilespmem:$0x14800] =	vst v63  }
0x38: {  	s2 =	sadd.s32 @!p2 $0x8000, s2;
	s1 =	sadd.s32 @!p2 s9, s1;
	s4 =	simm.s32 @!p2 $0x4000  }
0x39: {  	[tilespmem:s4], [sflag:$0x2] =	stream.linear.gather @!p2 [hbm4b:s2+s3], $0x2000, $0x38;
	[tilespmem:$0x14800] =	vst v63  }
0x3a: {  	s1 =	sshrl.u32 @!p2 s1, $0x3;
	s2 =	simm.s32 @!p1 $0x1  }
0x3b: {  	s1 =	sadd.s32 @!p2 s8, s1;
	s4 =	simm.s32 @!p2 $0x8000;
	s2 =	simm.s32 @p1 $0x4  }
0x3c: {  	[tilespmem:s4], [sflag:$0x3] =	stream.linear.gather @!p2 [hbm4b:s1+s3], $0x2000, $0x38;
	[tilespmem:$0x14800] =	vst v63  }
0x3d: {  	s2 =	simm.s32 @p0 $0x4  }
0x3e: {  	s1 =	simm.s32 @!p1 $0x2;
	_ =	swait.ge [sflag:s2], $0x2000  }
0x3f: {  	s1 =	simm.s32 @p1 $0x5;
	[sflag:s2] =	ssyncset.done $0x0  }
0x40: {  	s1 =	simm.s32 @p0 $0x5;
	[sflag:s2] =	ssyncadd.s32 $0xFFFFE000  }
0x41: {  	s2 =	simm.s32 @!p1 $0x3;
	_ =	swait.ge [sflag:s1], $0x2000  }
0x42: {  	s8 =	sshll.u32 s0, $0xD;
	s2 =	simm.s32 @p1 $0x6;
	[sflag:s1] =	ssyncset.done $0x0  }
0x43: {  	s0 =	sor.u32 $0x400, s8;
	s2 =	simm.s32 @p0 $0x6;
	[sflag:s1] =	ssyncadd.s32 $0xFFFFE000  }
0x44: {  	s9 =	simm.s32 $0x0;
	_ =	swait.ge [sflag:s2], $0x2000;
	[dreg:$0x4] =	wrdreg s0  }
0x45: {  	s10 =	sand.u32 $0x800, s9;
	s0 =	rddreg [dreg:$0x4]  }
0x46: {  	s11 =	sand.u32 $0x1000, s9;
	s0 =	sor.u32 s0, s10  }
0x47: {  	s4 =	sand.u32 $0x380, s9;
	[sflag:s2] =	ssyncset.done $0x0;
	s0 =	sor.u32 s11, s0  }
0x48: {  	[sflag:s2] =	ssyncadd.s32 $0xFFFFE000;
	s0 =	sor.u32 s4, s0  }
0x49: {  	v3 =	vld [tilespmem:s0+$0x8000];
	s12 =	sor.u32 $0x8070, s0  }
0x4a: {  	s14 =	sor.u32 $0x8010, s0;
	v10 =	vld [tilespmem:s12+$0x0]  }
0x4b: {  	s15 =	sor.u32 $0x8020, s0;
	v4 =	vld [tilespmem:s14+$0x0]  }
0x4c: {  	s1 =	sor.u32 s8, s10;
	s16 =	sor.u32 $0x70, s0;
	v5 =	vld [tilespmem:s15+$0x0]  }
0x4d: {  	s1 =	sor.u32 s11, s1;
	s17 =	sor.u32 $0x4070, s0;
	v6 =	vld [tilespmem:s16+$0x0]  }
0x4e: {  	s24 =	sor.u32 s4, s1;
	s18 =	sor.u32 $0x8030, s0;
	v7 =	vld [tilespmem:s17+$0x0];
	[dreg:$0x5] =	wrdreg s8  }
0x4f: {  	s22 =	sor.u32 $0x8010, s24;
	v9 =	vld [tilespmem:s18+$0x0]  }
0x50: {  	s23 =	sor.u32 $0x8020, s24;
	v16 =	vld [tilespmem:s22+$0x0]  }
0x51: {  	s30 =	sor.u32 $0x8060, s24;
	v17 =	vld [tilespmem:s23+$0x0]  }
0x52: {  	s31 =	sor.u32 $0x8070, s24;
	v25 =	vld [tilespmem:s30+$0x0]  }
0x53: {  	s6 =	sor.u32 $0x30, s0;
	v28 =	vld [tilespmem:s31+$0x0]  }
0x54: {  	s7 =	sor.u32 $0x4030, s0;
	v39 =	vld [tilespmem:s6+$0x0]  }
0x55: {  	s8 =	sor.u32 $0x40, s0;
	v40 =	vld [tilespmem:s7+$0x0];
	v8 =	vcvt.s32.f32 v3;
	v3 =	vshll.u32 v3, $0xA  }
0x56: {  	s9 =	sor.u32 $0x4040, s0;
	v41 =	vld [tilespmem:s8+$0x0];
	v11 =	vcvt.s32.f32 v10;
	v13 =	vcvt.s32.f32 v4;
	v4 =	vshll.u32 v4, $0xA  }
0x57: {  	v60 =	vld [tilespmem:s9+$0x0];
	v14 =	vcvt.s32.f32 v5;
	v5 =	vshll.u32 v5, $0xA;
	v7 =	vsub.f32 v7, v6  }
0x58: {  	v10 =	vshll.u32 v10, $0xA;
	v8 =	vmul.f32 $6.400000000e+01, v8;
	v24 =	vcvt.s32.f32 v16  }
0x59: {  	s19 =	sor.u32 $0x8040, s0;
	v6 =	vshll.u32 v9, $0xA;
	v27 =	vcvt.s32.f32 v17;
	v34 =	vcvt.s32.f32 v25  }
0x5a: {  	s20 =	sor.u32 $0x8050, s0;
	v12 =	vld [tilespmem:s19+$0x0];
	v36 =	vcvt.s32.f32 v28;
	v62 =	vsub.f32 v40, v39;
	v11 =	vmul.f32 $6.400000000e+01, v11  }
0x5b: {  	v15 =	vld [tilespmem:s20+$0x0];
	v14 =	vmul.f32 $6.400000000e+01, v14;
	v19 =	vsub.f32 $3.200000000e+01, v8;
	v8 =	vmul.f32 $6.400000000e+01, v13  }
0x5c: {  	s25 =	sor.u32 $0x8030, s24;
	v63 =	vsub.f32 v60, v41;
	v24 =	vmul.f32 $6.400000000e+01, v24;
	v27 =	vmul.f32 $6.400000000e+01, v27  }
0x5d: {  	s21 =	sor.u32 $0x8060, s0;
	v21 =	vld [tilespmem:s25+$0x0];
	v34 =	vmul.f32 $6.400000000e+01, v34;
	v36 =	vmul.f32 $6.400000000e+01, v36;
	v11 =	vsub.f32 $3.200000000e+01, v11  }
0x5e: {  	s29 =	sor.u32 $0x8050, s24;
	v13 =	vld [tilespmem:s21+$0x0];
	v22 =	vsub.f32 $3.200000000e+01, v14;
	v20 =	vsub.f32 $3.200000000e+01, v8;
	v8 =	vcvt.s32.f32 v9  }
0x5f: {  	s2 =	sor.u32 $0x10, s0;
	v23 =	vld [tilespmem:s29+$0x0];
	v9 =	vcvt.s32.f32 v12;
	v24 =	vsub.f32 $3.200000000e+01, v24;
	v27 =	vsub.f32 $3.200000000e+01, v27  }
0x60: {  	s26 =	sor.u32 $0x8040, s24;
	v32 =	vld [tilespmem:s2+$0x0];
	v11 =	vmul.f32 v11, v7;
	v7 =	vshll.u32 v12, $0xA;
	v12 =	vcvt.s32.f32 v15  }
0x61: {  	s4 =	sor.u32 $0x20, s0;
	v14 =	vld [tilespmem:s26+$0x0];
	v34 =	vsub.f32 $3.200000000e+01, v34;
	v8 =	vmul.f32 $6.400000000e+01, v8;
	v9 =	vmul.f32 $6.400000000e+01, v9  }
0x62: {  	v35 =	vld [tilespmem:s4+$0x0];
	v36 =	vsub.f32 $3.200000000e+01, v36;
	v11 =	vadd.f32 $5.120000000e+02, v11;
	v12 =	vmul.f32 $6.400000000e+01, v12  }
0x63: {  	s5 =	sor.u32 $0x4020, s0;
	v18 =	vcvt.s32.f32 v13;
	v26 =	vsub.f32 $3.200000000e+01, v8;
	v29 =	vsub.f32 $3.200000000e+01, v9;
	v8 =	vld [tilespmem:s24+$0x8000]  }
0x64: {  	s3 =	sor.u32 $0x4010, s0;
	v37 =	vld [tilespmem:s5+$0x0];
	v9 =	vtrunc.f32 v11;
	v11 =	vcvt.s32.f32 v21;
	v30 =	vsub.f32 $3.200000000e+01, v12  }
0x65: {  	s12 =	sor.u32 $0x60, s0;
	v33 =	vld [tilespmem:s3+$0x0];
	v12 =	vcvt.f32.s32 v9;
	v9 =	vshll.u32 v15, $0xA;
	v15 =	vmul.f32 $6.400000000e+01, v18  }
0x66: {  	v61 =	vld [tilespmem:s12+$0x0];
	v13 =	vshll.u32 v13, $0xA;
	v31 =	vcvt.s32.f32 v14;
	v11 =	vmul.f32 $6.400000000e+01, v11  }
0x67: {  	s14 =	sor.u32 $0x4060, s0;
	v55 =	vld [tilespmem:s24+$0x0];
	v18 =	vcvt.s32.f32 v23;
	vm0 =	vgt.s32 v12, $0x0;
	v42 =	vsub.f32 $3.200000000e+01, v15  }
0x68: {  	v40 =	vld [tilespmem:s14+$0x0];
	v12 =	vnsel vm0, $0x0, v12;
	v38 =	vcvt.s32.f32 v8;
	v43 =	vsub.f32 $3.200000000e+01, v11  }
0x69: {  	s10 =	sor.u32 $0x50, s0;
	v56 =	vld [tilespmem:s24+$0x4000];
	v11 =	vshll.u32 v21, $0xA;
	v21 =	vsub.f32 v37, v35;
	v12 =	vmin.u32 v12, $0x3FF  }
0x6a: {  	s11 =	sor.u32 $0x4050, s0;
	v45 =	vld [tilespmem:s10+$0x0];
	v10 =	vor.u32 v12, v10;
	v12 =	vmul.f32 $6.400000000e+01, v31;
	v31 =	vmul.f32 $6.400000000e+01, v18  }
0x6b: {  	v15 =	vmul.f32 $6.400000000e+01, v38;
	v18 =	vadd.s32 v1, v10;
	v10 =	vshll.u32 v16, $0xA;
	v16 =	vld [tilespmem:s11+$0x0]  }
0x6c: {  	v44 =	vsub.f32 $3.200000000e+01, v12;
	v12 =	vshll.u32 v17, $0xA;
	v17 =	vsub.f32 v33, v32  }
0x6d: {  	v14 =	vshll.u32 v14, $0xA;
	v46 =	vsub.f32 $3.200000000e+01, v15;
	v32 =	vsub.f32 v40, v61  }
0x6e: {  	v33 =	vsub.f32 v56, v55;
	v17 =	vmul.f32 v20, v17;
	v20 =	vmul.f32 v22, v21  }
0x6f: {  	v15 =	vshll.u32 v23, $0xA;
	v23 =	vld [tilespmem:s0+$0x0];
	v22 =	vmul.f32 v26, v62;
	v26 =	vmul.f32 v29, v63  }
0x70: {  	v21 =	vld [tilespmem:s0+$0x4000];
	v32 =	vmul.f32 v42, v32;
	v33 =	vmul.f32 v46, v33;
	v29 =	vsub.f32 v16, v45  }
0x71: {  	s15 =	sor.u32 $0x10, s24;
	v16 =	vshll.u32 v25, $0xA;
	v17 =	vadd.f32 $5.120000000e+02, v17;
	v20 =	vadd.f32 $5.120000000e+02, v20  }
0x72: {  	s16 =	sor.u32 $0x4010, s24;
	v41 =	vld [tilespmem:s15+$0x0];
	v22 =	vadd.f32 $5.120000000e+02, v22;
	v26 =	vadd.f32 $5.120000000e+02, v26;
	v29 =	vmul.f32 v30, v29  }
0x73: {  	s30 =	sor.u32 $0x70, s24;
	v25 =	vld [tilespmem:s16+$0x0];
	v33 =	vadd.f32 $5.120000000e+02, v33;
	v17 =	vtrunc.f32 v17;
	v20 =	vtrunc.f32 v20  }
0x74: {  	s31 =	sor.u32 $0x4070, s24;
	v53 =	vld [tilespmem:s30+$0x0];
	v31 =	vsub.f32 $3.200000000e+01, v31;
	v22 =	vtrunc.f32 v22;
	v26 =	vtrunc.f32 v26  }
0x75: {  	v54 =	vld [tilespmem:s31+$0x0];
	v33 =	vtrunc.f32 v33;
	v21 =	vsub.f32 v21, v23;
	v23 =	vcvt.f32.s32 v17  }
0x76: {  	s18 =	sor.u32 $0x4020, s24;
	v17 =	vshll.u32 v28, $0xA;
	v20 =	vcvt.f32.s32 v20;
	v22 =	vcvt.f32.s32 v22  }
0x77: {  	s17 =	sor.u32 $0x20, s24;
	v45 =	vld [tilespmem:s18+$0x0];
	v26 =	vcvt.f32.s32 v26;
	v33 =	vcvt.f32.s32 v33;
	v29 =	vadd.f32 $5.120000000e+02, v29  }
0x78: {  	v30 =	vld [tilespmem:s17+$0x0];
	v25 =	vsub.f32 v25, v41;
	v19 =	vmul.f32 v19, v21;
	v21 =	vadd.f32 $5.120000000e+02, v32  }
0x79: {  	s19 =	sor.u32 $0x30, s24;
	vm12 =	vgt.s32 v23, $0x0;
	vm1 =	vgt.s32 v20, $0x0;
	vm2 =	vgt.s32 v22, $0x0  }
0x7a: {  	s20 =	sor.u32 $0x4030, s24;
	v47 =	vld [tilespmem:s19+$0x0];
	vm3 =	vgt.s32 v26, $0x0;
	v32 =	vsub.f32 v54, v53;
	vm15 =	vgt.s32 v33, $0x0  }
0x7b: {  	s22 =	sor.u32 $0x4040, s24;
	v48 =	vld [tilespmem:s20+$0x0];
	v28 =	vtrunc.f32 v29;
	v57 =	vnsel vm12, $0x0, v23;
	v58 =	vnsel vm1, $0x0, v20  }
0x7c: {  	s25 =	sor.u32 $0x4050, s24;
	v49 =	vld [tilespmem:s22+$0x0];
	v59 =	vnsel vm2, $0x0, v22;
	v26 =	vnsel vm3, $0x0, v26;
	v20 =	vnsel vm15, $0x0, v33  }
0x7d: {  	v50 =	vld [tilespmem:s25+$0x0];
	s21 =	sor.u32 $0x40, s24;
	v24 =	vmul.f32 v24, v25;
	v25 =	vsub.f32 v45, v30;
	v28 =	vcvt.f32.s32 v28  }
0x7e: {  	s23 =	sor.u32 $0x50, s24;
	v29 =	vld [tilespmem:s21+$0x0];
	v19 =	vadd.f32 $5.120000000e+02, v19;
	v21 =	vtrunc.f32 v21;
	v32 =	vmul.f32 v36, v32  }
0x7f: {  	v30 =	vld [tilespmem:s23+$0x0];
	v21 =	vcvt.f32.s32 v21;
	v24 =	vadd.f32 $5.120000000e+02, v24;
	v25 =	vmul.f32 v27, v25  }
0x80: {  	s29 =	sor.u32 $0x4060, s24;
	v27 =	vsub.f32 v48, v47;
	v19 =	vtrunc.f32 v19;
	vm4 =	vgt.s32 v28, $0x0  }
0x81: {  	v52 =	vld [tilespmem:s29+$0x0];
	s26 =	sor.u32 $0x60, s24;
	v32 =	vadd.f32 $5.120000000e+02, v32;
	v19 =	vcvt.f32.s32 v19;
	vm5 =	vgt.s32 v21, $0x0  }
0x82: {  	v51 =	vld [tilespmem:s26+$0x0];
	v28 =	vnsel vm4, $0x0, v28;
	v25 =	vadd.f32 $5.120000000e+02, v25;
	v27 =	vmul.f32 v43, v27  }
0x83: {  	v29 =	vsub.f32 v49, v29;
	v24 =	vtrunc.f32 v24;
	v32 =	vtrunc.f32 v32  }
0x84: {  	v61 =	vnsel vm5, $0x0, v21;
	v30 =	vsub.f32 v50, v30;
	v24 =	vcvt.f32.s32 v24  }
0x85: {  	vm6 =	vgt.s32 v19, $0x0;
	v32 =	vcvt.f32.s32 v32;
	v27 =	vadd.f32 $5.120000000e+02, v27  }
0x86: {  	v29 =	vmul.f32 v44, v29;
	v25 =	vtrunc.f32 v25;
	v60 =	vnsel vm6, $0x0, v19  }
0x87: {  	v30 =	vmul.f32 v31, v30;
	v31 =	vsub.f32 v52, v51;
	v25 =	vcvt.f32.s32 v25  }
0x88: {  	vm7 =	vgt.s32 v24, $0x0;
	vm14 =	vgt.s32 v32, $0x0;
	v29 =	vadd.f32 $5.120000000e+02, v29  }
0x89: {  	v27 =	vtrunc.f32 v27;
	v62 =	vnsel vm7, $0x0, v24;
	v19 =	vnsel vm14, $0x0, v32  }
0x8a: {  	v32 =	vmin.u32 v58, $0x3FF;
	v24 =	vmin.u32 v60, $0x3FF;
	v31 =	vmul.f32 v34, v31  }
0x8b: {  	v30 =	vadd.f32 $5.120000000e+02, v30;
	v27 =	vcvt.f32.s32 v27;
	vm8 =	vgt.s32 v25, $0x0  }
0x8c: {  	v29 =	vtrunc.f32 v29;
	v25 =	vnsel vm8, $0x0, v25;
	v31 =	vadd.f32 $5.120000000e+02, v31  }
0x8d: {  	v29 =	vcvt.f32.s32 v29;
	v30 =	vtrunc.f32 v30;
	vm9 =	vgt.s32 v27, $0x0  }
0x8e: {  	v25 =	vmin.u32 v25, $0x3FF;
	v30 =	vcvt.f32.s32 v30;
	v63 =	vnsel vm9, $0x0, v27  }
0x8f: {  	v27 =	vmin.u32 v26, $0x3FF;
	v26 =	vmin.u32 v62, $0x3FF;
	v31 =	vtrunc.f32 v31  }
0x90: {  	[tilespmem:v18+s13+$0x0] =	vst.idx.add.f32.msk $0xffff, v2;
	vm10 =	vgt.s32 v29, $0x0;
	v18 =	vmin.u32 v63, $0x3FF;
	v31 =	vcvt.f32.s32 v31  }
0x91: {  	vm11 =	vgt.s32 v30, $0x0;
	v23 =	vnsel vm10, $0x0, v29;
	v29 =	vmin.u32 v28, $0x3FF  }
0x92: {  	s28 =	simm.s32 $0x0;
	v28 =	vmin.u32 v61, $0x3FF;
	v22 =	vnsel vm11, $0x0, v30;
	vm13 =	vgt.s32 v31, $0x0  }
0x93: {  	s25 =	simm.s32 $0x0;
	s14 =	simm.s32 $0x0;
	s26 =	simm.s32 $0x0;
	v30 =	vmin.u32 v57, $0x3FF;
	v21 =	vnsel vm13, $0x0, v31;
	v31 =	vmin.u32 v59, $0x3FF  }
.LBB2_5:
0x94: {  	s25 =	sadd.s32 $0x800, s25  }
0x95: {  	s0 =	rddreg [dreg:$0x4];
	s26 =	sadd.s32 $0x100, s26;
	s1 =	sand.u32 $0x800, s25  }
0x96: {  	s28 =	sadd.s32 $0x40, s28;
	s2 =	sand.u32 $0x1000, s26;
	s0 =	sor.u32 s0, s1  }
0x97: {  	s3 =	sand.u32 $0x380, s28;
	s0 =	sor.u32 s2, s0  }
0x98: {  	s30 =	sor.u32 s3, s0  }
0x99: {  	v23 =	vmin.u32 v23, $0x3FF;
	v11 =	vor.u32 v18, v11;
	v18 =	vld [tilespmem:s30+$0x8000];
	s17 =	sor.u32 $0x8070, s30  }
0x9a: {  	v4 =	vor.u32 v30, v4;
	v7 =	vor.u32 v27, v7;
	v27 =	vor.u32 v26, v10;
	s0 =	sor.u32 $0x8010, s30;
	v10 =	vld [tilespmem:s17+$0x0]  }
0x9b: {  	v21 =	vmin.u32 v21, $0x3FF;
	v5 =	vor.u32 v32, v5;
	v32 =	vadd.s32 v1, v4;
	s18 =	sor.u32 $0x8020, s30;
	v4 =	vld [tilespmem:s0+$0x0]  }
0x9c: {  	v20 =	vmin.u32 v20, $0x3FF;
	v6 =	vor.u32 v31, v6;
	s4 =	rddreg [dreg:$0x5];
	v31 =	vadd.s32 v1, v5;
	s20 =	sor.u32 $0x70, s30;
	v5 =	vld [tilespmem:s18+$0x0]  }
0x9d: {  	v8 =	vshll.u32 v8, $0xA;
	v9 =	vor.u32 v29, v9;
	v29 =	vadd.s32 v1, v6;
	s1 =	sor.u32 s4, s1;
	s21 =	sor.u32 $0x4070, s30;
	v6 =	vld [tilespmem:s20+$0x0]  }
0x9e: {  	v19 =	vmin.u32 v19, $0x3FF;
	v13 =	vor.u32 v28, v13;
	v28 =	vadd.s32 v1, v9;
	s1 =	sor.u32 s2, s1;
	s19 =	sor.u32 $0x8030, s30;
	v9 =	vld [tilespmem:s21+$0x0]  }
0x9f: {  	v3 =	vor.u32 v24, v3;
	v16 =	vor.u32 v21, v16;
	v24 =	vadd.s32 v1, v11;
	s29 =	sor.u32 s3, s1;
	s10 =	sor.u32 $0x8060, s30;
	v11 =	vld [tilespmem:s19+$0x0]  }
0xa0: {  	v8 =	vor.u32 v20, v8;
	v17 =	vor.u32 v19, v17;
	v20 =	vadd.s32 v1, v16;
	s9 =	sor.u32 $0x8010, s29;
	v16 =	vld [tilespmem:s10+$0x0]  }
0xa1: {  	v22 =	vmin.u32 v22, $0x3FF;
	v14 =	vor.u32 v23, v14;
	v23 =	vadd.s32 v1, v17;
	s13 =	sor.u32 $0x8040, s29;
	v17 =	vld [tilespmem:s9+$0x0]  }
0xa2: {  	v12 =	vor.u32 v25, v12;
	v15 =	vor.u32 v22, v15;
	v30 =	vadd.s32 v1, v7;
	s31 =	sor.u32 $0x8050, s29;
	v37 =	vld [tilespmem:s13+$0x0]  }
0xa3: {  	v26 =	vadd.s32 v1, v13;
	v25 =	vadd.s32 v1, v27;
	v22 =	vadd.s32 v1, v12;
	s3 =	sor.u32 $0x8060, s29;
	v38 =	vld [tilespmem:s31+$0x0]  }
0xa4: {  	v27 =	vadd.s32 v1, v3;
	v21 =	vadd.s32 v1, v14;
	v19 =	vadd.s32 v1, v15;
	s24 =	sor.u32 $0x8070, s29;
	v40 =	vld [tilespmem:s3+$0x0]  }
0xa5: {  	s22 =	sor.u32 $0x20, s30;
	v42 =	vld [tilespmem:s24+$0x0];
	v7 =	vcvt.s32.f32 v18;
	v3 =	vshll.u32 v18, $0xA;
	v18 =	vadd.s32 v1, v8  }
0xa6: {  	s7 =	sor.u32 $0x4020, s30;
	v50 =	vld [tilespmem:s22+$0x0];
	v12 =	vcvt.s32.f32 v10;
	v8 =	vcvt.s32.f32 v4;
	v4 =	vshll.u32 v4, $0xA  }
0xa7: {  	s5 =	sor.u32 $0x8040, s30;
	v52 =	vld [tilespmem:s7+$0x0];
	v14 =	vcvt.s32.f32 v5;
	v5 =	vshll.u32 v5, $0xA;
	v34 =	vcvt.s32.f32 v16  }
0xa8: {  	s1 =	sor.u32 $0x40, s30;
	v13 =	vld [tilespmem:s5+$0x0];
	v9 =	vsub.f32 v9, v6;
	v39 =	vcvt.s32.f32 v17;
	v46 =	vcvt.s32.f32 v37  }
0xa9: {  	s5 =	sor.u32 $0x4040, s30;
	v56 =	vld [tilespmem:s1+$0x0];
	v6 =	vshll.u32 v11, $0xA;
	v63 =	vcvt.s32.f32 v38;
	v7 =	vmul.f32 $6.400000000e+01, v7  }
0xaa: {  	s8 =	sor.u32 $0x8050, s30;
	v59 =	vld [tilespmem:s5+$0x0];
	v49 =	vcvt.s32.f32 v40;
	v51 =	vcvt.s32.f32 v42;
	v10 =	vshll.u32 v10, $0xA  }
0xab: {  	v15 =	vld [tilespmem:s8+$0x0];
	v12 =	vmul.f32 $6.400000000e+01, v12;
	v33 =	vsub.f32 $3.200000000e+01, v7;
	v7 =	vmul.f32 $6.400000000e+01, v8  }
0xac: {  	v52 =	vsub.f32 v52, v50;
	v62 =	vmul.f32 $6.400000000e+01, v39;
	v8 =	vmul.f32 $6.400000000e+01, v14  }
0xad: {  	v12 =	vsub.f32 $3.200000000e+01, v12;
	v35 =	vsub.f32 $3.200000000e+01, v7;
	v7 =	vcvt.s32.f32 v11  }
0xae: {  	s11 =	sor.u32 $0x8020, s29;
	v39 =	vmul.f32 $6.400000000e+01, v63;
	v36 =	vsub.f32 $3.200000000e+01, v8;
	v8 =	vcvt.s32.f32 v13  }
0xaf: {  	v59 =	vsub.f32 v59, v56;
	v14 =	vld [tilespmem:s11+$0x0];
	v9 =	vmul.f32 v12, v9;
	v12 =	vmul.f32 $6.400000000e+01, v7  }
0xb0: {  	s16 =	sor.u32 $0x8030, s29;
	v7 =	vshll.u32 v13, $0xA;
	v13 =	vcvt.s32.f32 v15;
	v8 =	vmul.f32 $6.400000000e+01, v8  }
0xb1: {  	v49 =	vmul.f32 $6.400000000e+01, v49;
	v51 =	vmul.f32 $6.400000000e+01, v51;
	v11 =	vld [tilespmem:s16+$0x0];
	v9 =	vadd.f32 $5.120000000e+02, v9  }
0xb2: {  	s15 =	sor.u32 $0x4010, s30;
	v41 =	vsub.f32 $3.200000000e+01, v12;
	v12 =	vmul.f32 $6.400000000e+01, v13;
	v43 =	vsub.f32 $3.200000000e+01, v8;
	v8 =	vld [tilespmem:s29+$0x8000]  }
0xb3: {  	s23 =	sor.u32 $0x30, s30;
	v48 =	vld [tilespmem:s15+$0x0];
	v39 =	vsub.f32 $3.200000000e+01, v39;
	v49 =	vsub.f32 $3.200000000e+01, v49;
	v9 =	vtrunc.f32 v9  }
0xb4: {  	s0 =	sor.u32 $0x10, s30;
	v54 =	vld [tilespmem:s23+$0x0];
	v13 =	vcvt.s32.f32 v14;
	v45 =	vsub.f32 $3.200000000e+01, v12;
	v12 =	vcvt.f32.s32 v9  }
0xb5: {  	s6 =	sor.u32 $0x50, s30;
	v47 =	vld [tilespmem:s0+$0x0];
	v63 =	vmul.f32 v36, v52;
	v9 =	vshll.u32 v15, $0xA;
	v15 =	vmul.f32 $6.400000000e+01, v34  }
0xb6: {  	v61 =	vld [tilespmem:s6+$0x0];
	s11 =	sor.u32 $0x30, s29;
	v44 =	vcvt.s32.f32 v11;
	v13 =	vmul.f32 $6.400000000e+01, v13;
	vm0 =	vgt.s32 v12, $0x0  }
0xb7: {  	v50 =	vld [tilespmem:s11+$0x0];
	v57 =	vsub.f32 $3.200000000e+01, v15;
	v12 =	vnsel vm0, $0x0, v12;
	v53 =	vcvt.s32.f32 v8  }
0xb8: {  	s2 =	sor.u32 $0x4050, s30;
	v52 =	vld [tilespmem:s30+$0x4000];
	v58 =	vsub.f32 $3.200000000e+01, v13;
	v13 =	vshll.u32 v16, $0xA;
	v12 =	vmin.u32 v12, $0x3FF  }
0xb9: {  	s21 =	sor.u32 $0x4030, s30;
	v16 =	vld [tilespmem:s2+$0x0];
	v10 =	vor.u32 v12, v10;
	v12 =	vmul.f32 $6.400000000e+01, v46;
	v15 =	vmul.f32 $6.400000000e+01, v53  }
0xba: {  	s19 =	sor.u32 $0x4060, s30;
	v46 =	vld [tilespmem:s21+$0x0];
	v55 =	vadd.s32 v1, v10;
	v10 =	vshll.u32 v17, $0xA;
	v17 =	vsub.f32 v48, v47  }
0xbb: {  	v51 =	vsub.f32 $3.200000000e+01, v51;
	v44 =	vmul.f32 $6.400000000e+01, v44;
	v53 =	vsub.f32 $3.200000000e+01, v62;
	v62 =	vld [tilespmem:s19+$0x0]  }
0xbc: {  	s20 =	sor.u32 $0x60, s30;
	v34 =	vsub.f32 $3.200000000e+01, v15;
	v15 =	vshll.u32 v38, $0xA;
	v38 =	vld [tilespmem:s30+$0x0];
	v17 =	vmul.f32 v35, v17  }
0xbd: {  	s9 =	sor.u32 $0x4030, s29;
	v11 =	vshll.u32 v11, $0xA;
	v44 =	vsub.f32 $3.200000000e+01, v44;
	v48 =	vld [tilespmem:s20+$0x0];
	v35 =	vadd.f32 $5.120000000e+02, v63  }
0xbe: {  	s13 =	simm.s32 $0xC000;
	v60 =	vsub.f32 $3.200000000e+01, v12;
	v12 =	vshll.u32 v14, $0xA;
	v63 =	vld [tilespmem:s9+$0x0];
	v17 =	vadd.f32 $5.120000000e+02, v17  }
0xbf: {  	s8 =	sor.u32 $0x10, s29;
	v35 =	vtrunc.f32 v35;
	[tilespmem:v55+s13+$0x0] =	vst.idx.add.f32.msk $0xffff, v2;
	v55 =	vsub.f32 v46, v54;
	v54 =	vmul.f32 v43, v59  }
0xc0: {  	s4 =	sor.u32 $0x4010, s29;
	v56 =	vld [tilespmem:s8+$0x0];
	s16 =	sor.u32 $0x50, s29;
	v14 =	vshll.u32 v37, $0xA;
	v35 =	vcvt.f32.s32 v35;
	v17 =	vtrunc.f32 v17  }
0xc1: {  	[dreg:$0xa] =	wrdreg s16;
	s16 =	sor.u32 $0x4050, s29;
	v59 =	vld [tilespmem:s4+$0x0];
	v36 =	vsub.f32 v52, v38;
	v37 =	vmul.f32 v41, v55;
	v55 =	vsub.f32 v16, v61  }
0xc2: {  	[dreg:$0x9] =	wrdreg s16;
	s16 =	sor.u32 $0x60, s29;
	v16 =	vshll.u32 v40, $0xA;
	v41 =	vadd.f32 $5.120000000e+02, v54;
	v61 =	vsub.f32 v62, v48  }
0xc3: {  	s10 =	sor.u32 $0x4020, s29;
	[dreg:$0x8] =	wrdreg s16;
	v38 =	vcvt.f32.s32 v17;
	v17 =	vshll.u32 v42, $0xA;
	vm1 =	vgt.s32 v35, $0x0  }
0xc4: {  	s24 =	rddreg [dreg:$0x8];
	v62 =	vld [tilespmem:s10+$0x0];
	v50 =	vsub.f32 v63, v50;
	v33 =	vmul.f32 v33, v36;
	v43 =	vmul.f32 v45, v55  }
0xc5: {  	s12 =	sor.u32 $0x20, s29;
	s16 =	sor.u32 $0x4060, s29;
	v63 =	vld [tilespmem:s24+$0x0];
	v37 =	vadd.f32 $5.120000000e+02, v37;
	v41 =	vtrunc.f32 v41;
	v47 =	vmul.f32 v57, v61  }
0xc6: {  	s18 =	sor.u32 $0x4040, s29;
	[dreg:$0x7] =	wrdreg s16;
	v45 =	vld [tilespmem:s12+$0x0];
	vm0 =	vgt.s32 v38, $0x0;
	v44 =	vmul.f32 v44, v50;
	v40 =	vsub.f32 v59, v56  }
0xc7: {  	s30 =	rddreg [dreg:$0x7];
	v61 =	vld [tilespmem:s18+$0x0];
	v41 =	vcvt.f32.s32 v41;
	v33 =	vadd.f32 $5.120000000e+02, v33;
	v37 =	vtrunc.f32 v37  }
0xc8: {  	s17 =	sor.u32 $0x40, s29;
	v57 =	vld [tilespmem:s30+$0x0];
	v43 =	vadd.f32 $5.120000000e+02, v43;
	v59 =	vadd.f32 $5.120000000e+02, v47;
	v37 =	vcvt.f32.s32 v37  }
0xc9: {  	v56 =	vld [tilespmem:s17+$0x0];
	v44 =	vadd.f32 $5.120000000e+02, v44;
	v40 =	vmul.f32 v53, v40;
	v33 =	vtrunc.f32 v33  }
0xca: {  	[tilespmem:v24+s13+$0x0] =	vst.idx.add.f32.msk $0xffff, v2;
	v24 =	vnsel vm0, $0x0, v38;
	v55 =	vtrunc.f32 v43;
	v36 =	vtrunc.f32 v59  }
0xcb: {  	vm3 =	vgt.s32 v41, $0x0;
	v33 =	vcvt.f32.s32 v33;
	v44 =	vtrunc.f32 v44  }
0xcc: {  	s22 =	rddreg [dreg:$0xa];
	[tilespmem:v29+s13+$0x0] =	vst.idx.add.f32.msk $0xffff, v2;
	v45 =	vsub.f32 v62, v45;
	v42 =	vcvt.f32.s32 v55;
	v40 =	vadd.f32 $5.120000000e+02, v40  }
0xcd: {  	s23 =	rddreg [dreg:$0x9];
	v47 =	vld [tilespmem:s22+$0x0];
	vm2 =	vgt.s32 v37, $0x0;
	v36 =	vcvt.f32.s32 v36;
	v63 =	vsub.f32 v57, v63  }
0xce: {  	s16 =	sor.u32 $0x70, s29;
	v62 =	vld [tilespmem:s23+$0x0];
	v29 =	vcvt.f32.s32 v44;
	v43 =	vsub.f32 v61, v56;
	vm6 =	vgt.s32 v33, $0x0  }
0xcf: {  	[dreg:$0x6] =	wrdreg s16;
	s16 =	sor.u32 $0x4070, s29;
	v45 =	vmul.f32 v58, v45;
	v40 =	vtrunc.f32 v40;
	vm4 =	vgt.s32 v42, $0x0  }
0xd0: {  	s31 =	rddreg [dreg:$0x6];
	v59 =	vld [tilespmem:s16+$0x0];
	vm5 =	vgt.s32 v36, $0x0;
	v53 =	vmul.f32 v49, v63;
	vm9 =	vgt.s32 v29, $0x0  }
0xd1: {  	v58 =	vld [tilespmem:s31+$0x0];
	v33 =	vnsel vm6, $0x0, v33;
	v43 =	vmul.f32 v60, v43;
	v40 =	vcvt.f32.s32 v40  }
0xd2: {  	v60 =	vnsel vm4, $0x0, v42;
	v36 =	vnsel vm5, $0x0, v36;
	v45 =	vadd.f32 $5.120000000e+02, v45  }
0xd3: {  	v61 =	vld [tilespmem:s29+$0x0];
	v63 =	vnsel vm9, $0x0, v29;
	v29 =	vmin.u32 v60, $0x3FF;
	v47 =	vsub.f32 v62, v47  }
0xd4: {  	v62 =	vld [tilespmem:s29+$0x4000];
	v43 =	vadd.f32 $5.120000000e+02, v43;
	vm7 =	vgt.s32 v40, $0x0;
	v45 =	vtrunc.f32 v45  }
0xd5: {  	[tilespmem:v18+s13+$0x0] =	vst.idx.add.f32.msk $0xffff, v2;
	v18 =	vmin.u32 v63, $0x3FF;
	v39 =	vmul.f32 v39, v47;
	v52 =	vcvt.f32.s32 v45  }
0xd6: {  	[tilespmem:v31+s13+$0x0] =	vst.idx.add.f32.msk $0xffff, v2;
	v55 =	vsub.f32 v59, v58;
	v43 =	vtrunc.f32 v43;
	v58 =	vnsel vm2, $0x0, v37  }
0xd7: {  	[tilespmem:v28+s13+$0x0] =	vst.idx.add.f32.msk $0xffff, v2;
	v59 =	vnsel vm3, $0x0, v41;
	v28 =	vcvt.f32.s32 v43;
	v31 =	vadd.f32 $5.120000000e+02, v39  }
0xd8: {  	[tilespmem:v32+s13+$0x0] =	vst.idx.add.f32.msk $0xffff, v2;
	v39 =	vadd.f32 $5.120000000e+02, v53;
	v56 =	vmul.f32 v51, v55;
	vm8 =	vgt.s32 v52, $0x0  }
0xd9: {  	[tilespmem:v30+s13+$0x0] =	vst.idx.add.f32.msk $0xffff, v2;
	v30 =	vsub.f32 v62, v61;
	vm10 =	vgt.s32 v28, $0x0;
	v61 =	vnsel vm7, $0x0, v40  }
0xda: {  	[tilespmem:v26+s13+$0x0] =	vst.idx.add.f32.msk $0xffff, v2;
	v62 =	vnsel vm8, $0x0, v52;
	v31 =	vtrunc.f32 v31;
	v57 =	vadd.f32 $5.120000000e+02, v56  }
0xdb: {  	[tilespmem:v23+s13+$0x0] =	vst.idx.add.f32.msk $0xffff, v2;
	v23 =	vnsel vm10, $0x0, v28;
	v28 =	vmin.u32 v36, $0x3FF;
	v26 =	vmul.f32 v34, v30  }
0xdc: {  	[tilespmem:v27+s13+$0x0] =	vst.idx.add.f32.msk $0xffff, v2;
	v30 =	vtrunc.f32 v39;
	v27 =	vcvt.f32.s32 v31;
	v31 =	vnsel vm1, $0x0, v35  }
0xdd: {  	s14 =	sadd.s32 $0x10, s14;
	[tilespmem:v25+s13+$0x0] =	vst.idx.add.f32.msk $0xffff, v2;
	v30 =	vcvt.f32.s32 v30;
	v32 =	vmin.u32 v31, $0x3FF;
	v25 =	vadd.f32 $5.120000000e+02, v26  }
0xde: {  	p0 =	slt.u32 s14, $0x1F0;
	v31 =	vmin.u32 v58, $0x3FF;
	v26 =	vtrunc.f32 v57;
	vm11 =	vgt.s32 v27, $0x0  }
.Ltmp1:
0xdf: {  	[tilespmem:v22+s13+$0x0] =	vst.idx.add.f32.msk $0xffff, v2;
	v26 =	vcvt.f32.s32 v26;
	vm12 =	vgt.s32 v30, $0x0;
	v22 =	vtrunc.f32 v25;
	(pc) =	sbr.rel @p0 .LBB2_5-.Ltmp1, $4  }
0xe0: {  	[tilespmem:v21+s13+$0x0] =	vst.idx.add.f32.msk $0xffff, v2;
	v21 =	vnsel vm12, $0x0, v30;
	v30 =	vmin.u32 v24, $0x3FF;
	v25 =	vcvt.f32.s32 v22  }
0xe1: {  	v24 =	vmin.u32 v33, $0x3FF;
	vm14 =	vgt.s32 v26, $0x0;
	v22 =	vnsel vm11, $0x0, v27  }
0xe2: {  	[tilespmem:v19+s13+$0x0] =	vst.idx.add.f32.msk $0xffff, v2;
	v27 =	vmin.u32 v59, $0x3FF;
	v19 =	vnsel vm14, $0x0, v26;
	vm15 =	vgt.s32 v25, $0x0  }
0xe3: {  	[tilespmem:v20+s13+$0x0] =	vst.idx.add.f32.msk $0xffff, v2;
	v26 =	vmin.u32 v61, $0x3FF;
	v20 =	vnsel vm15, $0x0, v25;
	v25 =	vmin.u32 v62, $0x3FF  }
0xe4: {  	v4 =	vor.u32 v30, v4  }
0xe5: {  	v5 =	vor.u32 v32, v5;
	v4 =	vadd.s32 v1, v4  }
0xe6: {  	v6 =	vor.u32 v31, v6;
	v5 =	vadd.s32 v1, v5  }
0xe7: {  	v7 =	vor.u32 v27, v7;
	v6 =	vadd.s32 v1, v6  }
0xe8: {  	v9 =	vor.u32 v29, v9;
	v7 =	vadd.s32 v1, v7  }
0xe9: {  	v13 =	vor.u32 v28, v13;
	v3 =	vor.u32 v24, v3;
	v9 =	vadd.s32 v1, v9  }
0xea: {  	v55 =	vor.u32 v26, v10;
	v13 =	vadd.s32 v1, v13;
	[tilespmem:v4+s13+$0x0] =	vst.idx.add.f32.msk $0xffff, v2  }
0xeb: {  	v57 =	vor.u32 v25, v12;
	v3 =	vadd.s32 v1, v3;
	[tilespmem:v5+s13+$0x0] =	vst.idx.add.f32.msk $0xffff, v2  }
0xec: {  	v11 =	vor.u32 v18, v11;
	v61 =	vmin.u32 v19, $0x3FF;
	v10 =	vadd.s32 v1, v57;
	[tilespmem:v6+s13+$0x0] =	vst.idx.add.f32.msk $0xffff, v2  }
0xed: {  	v11 =	vadd.s32 v1, v11;
	v62 =	vor.u32 v61, v17;
	[tilespmem:v7+s13+$0x0] =	vst.idx.add.f32.msk $0xffff, v2  }
0xee: {  	v56 =	vmin.u32 v23, $0x3FF;
	v58 =	vmin.u32 v22, $0x3FF;
	v63 =	vadd.s32 v1, v62;
	[tilespmem:v9+s13+$0x0] =	vst.idx.add.f32.msk $0xffff, v2  }
0xef: {  	v59 =	vmin.u32 v21, $0x3FF;
	v4 =	vadd.s32 v1, v55;
	v5 =	vor.u32 v56, v14;
	[tilespmem:v13+s13+$0x0] =	vst.idx.add.f32.msk $0xffff, v2  }
0xf0: {  	v60 =	vmin.u32 v20, $0x3FF;
	v6 =	vor.u32 v58, v15;
	[tilespmem:v3+s13+$0x0] =	vst.idx.add.f32.msk $0xffff, v2;
	v5 =	vadd.s32 v1, v5  }
0xf1: {  	v7 =	vor.u32 v59, v16;
	v3 =	vshll.u32 v8, $0xA;
	[tilespmem:v10+s13+$0x0] =	vst.idx.add.f32.msk $0xffff, v2;
	v6 =	vadd.s32 v1, v6  }
0xf2: {  	[tilespmem:v11+s13+$0x0] =	vst.idx.add.f32.msk $0xffff, v2;
	v7 =	vadd.s32 v1, v7;
	v3 =	vor.u32 v60, v3  }
0xf3: {  	[tilespmem:v63+s13+$0x0] =	vst.idx.add.f32.msk $0xffff, v2;
	v3 =	vadd.s32 v1, v3  }
0xf4: {  	[tilespmem:v4+s13+$0x0] =	vst.idx.add.f32.msk $0xffff, v2  }
0xf5: {  	[tilespmem:v5+s13+$0x0] =	vst.idx.add.f32.msk $0xffff, v2  }
0xf6: {  	[tilespmem:v6+s13+$0x0] =	vst.idx.add.f32.msk $0xffff, v2  }
0xf7: {  	[tilespmem:v7+s13+$0x0] =	vst.idx.add.f32.msk $0xffff, v2  }
0xf8: {  	[tilespmem:v3+s13+$0x0] =	vst.idx.add.f32.msk $0xffff, v2  }
0xf9: {  	s0 =	rddreg [dreg:$0x14]  }
0xfa: {  	p0 =	seq.s32 s0, $0x8  }
.Ltmp2:
0xfb: {  	_ = 	snop;
	(pc) =	sbr.rel @!p0 .LBB2_4-.Ltmp2, $1  }
0xfc: {  	_ =	sdelay $0x3  }
0xfd: {  	s1 =	simm.s32 $0xC000  }
0xfe: {  	s0 =	simm.s32 $0x0;
	s2 =	simm.s32 $0xC010;
	v3 =	vld [tilespmem:s1+$0x0]  }
0xff: {  	s0 =	sand.u32 $0x7F0, s0;
	v13 =	vld [tilespmem:s2+$0x0]  }
0x100: {  	v4 =	vld [tilespmem:s0+$0xC800]  }
0x101: {  	v5 =	vld [tilespmem:s0+$0xD000]  }
0x102: {  	v6 =	vld [tilespmem:s0+$0xD800]  }
0x103: {  	v7 =	vld [tilespmem:s0+$0xE000]  }
0x104: {  	v8 =	vld [tilespmem:s0+$0xE800]  }
0x105: {  	v9 =	vld [tilespmem:s0+$0xF000]  }
0x106: {  	v10 =	vld [tilespmem:s0+$0xF800]  }
0x107: {  	s28 =	simm.s32 $0x10;
	v11 =	vld [tilespmem:s0+$0x10800]  }
0x108: {  	s1 =	sand.u32 $0x7F0, s28;
	v12 =	vld [tilespmem:s0+$0x10000]  }
0x109: {  	v3 =	vadd.f32 v4, v3;
	v4 =	vld [tilespmem:s1+$0xC800]  }
0x10a: {  	v14 =	vld [tilespmem:s0+$0x11000]  }
0x10b: {  	v3 =	vadd.f32 v5, v3;
	v5 =	vld [tilespmem:s1+$0xD000]  }
0x10c: {  	v15 =	vld [tilespmem:s0+$0x11800]  }
0x10d: {  	v3 =	vadd.f32 v6, v3;
	v6 =	vld [tilespmem:s1+$0xD800]  }
0x10e: {  	v57 =	vld [tilespmem:s0+$0x12000];
	v4 =	vadd.f32 v4, v13  }
0x10f: {  	v3 =	vadd.f32 v7, v3;
	v7 =	vld [tilespmem:s1+$0xE000]  }
0x110: {  	v58 =	vld [tilespmem:s1+$0x10000];
	v4 =	vadd.f32 v5, v4  }
0x111: {  	v3 =	vadd.f32 v8, v3;
	v8 =	vld [tilespmem:s1+$0xE800]  }
0x112: {  	v5 =	vld [tilespmem:s0+$0x12800];
	v4 =	vadd.f32 v6, v4  }
0x113: {  	v3 =	vadd.f32 v9, v3;
	v9 =	vld [tilespmem:s1+$0xF000]  }
0x114: {  	v6 =	vld [tilespmem:s0+$0x13000];
	v4 =	vadd.f32 v7, v4  }
0x115: {  	v3 =	vadd.f32 v10, v3;
	v10 =	vld [tilespmem:s1+$0xF800]  }
0x116: {  	v7 =	vld [tilespmem:s0+$0x13800];
	v4 =	vadd.f32 v8, v4  }
0x117: {  	s29 =	simm.s32 $0x20;
	s30 =	simm.s32 $0xC020;
	v8 =	vld [tilespmem:s1+$0x10800];
	v3 =	vadd.f32 v12, v3  }
0x118: {  	s0 =	sand.u32 $0x7F0, s29;
	v4 =	vadd.f32 v9, v4;
	v9 =	vld [tilespmem:s30+$0x0]  }
0x119: {  	v3 =	vadd.f32 v11, v3;
	v11 =	vld [tilespmem:s0+$0xC800]  }
0x11a: {  	v59 =	vld [tilespmem:s0+$0xD000];
	v4 =	vadd.f32 v10, v4  }
0x11b: {  	v10 =	vld [tilespmem:s1+$0x11000];
	v3 =	vadd.f32 v14, v3  }
0x11c: {  	v60 =	vld [tilespmem:s1+$0x11800];
	v4 =	vadd.f32 v58, v4  }
0x11d: {  	v61 =	vld [tilespmem:s0+$0xD800];
	v3 =	vadd.f32 v15, v3  }
0x11e: {  	v9 =	vadd.f32 v11, v9;
	v4 =	vadd.f32 v8, v4;
	v8 =	vld [tilespmem:s1+$0x12000]  }
0x11f: {  	v11 =	vld [tilespmem:s0+$0xE000];
	v3 =	vadd.f32 v57, v3  }
0x120: {  	v9 =	vadd.f32 v59, v9;
	v4 =	vadd.f32 v10, v4;
	v10 =	vld [tilespmem:s1+$0x12800]  }
0x121: {  	v3 =	vadd.f32 v5, v3;
	v5 =	vld [tilespmem:s0+$0xE800]  }
0x122: {  	v62 =	vld [tilespmem:s1+$0x13000];
	v9 =	vadd.f32 v61, v9;
	v4 =	vadd.f32 v60, v4  }
0x123: {  	v63 =	vld [tilespmem:s0+$0xF000];
	v6 =	vadd.f32 v6, v3  }
0x124: {  	v3 =	vld [tilespmem:s1+$0x13800];
	v9 =	vadd.f32 v11, v9;
	v8 =	vadd.f32 v8, v4  }
0x125: {  	v11 =	vadd.f32 v7, v6;
	v6 =	vld [tilespmem:s0+$0xF800]  }
0x126: {  	v4 =	vld [tilespmem:s0+$0x10800];
	v5 =	vadd.f32 v5, v9;
	v10 =	vadd.f32 v10, v8  }
0x127: {  	s21 =	simm.s32 $0x14000;
	s31 =	simm.s32 $0x30;
	s2 =	simm.s32 $0xC030;
	v7 =	vld [tilespmem:s0+$0x10000]  }
0x128: {  	s3 =	simm.s32 $0x40;
	s1 =	sand.u32 $0x7F0, s31;
	v8 =	vld [tilespmem:s2+$0x0];
	[tilespmem:s21+$0x0] =	vst v11;
	v9 =	vadd.f32 v63, v5;
	v5 =	vadd.f32 v62, v10  }
.LBB2_8:
0x129: {  	p0 =	sne.s32 s3, $0x7F0;
	v10 =	vld [tilespmem:s1+$0xC800]  }
0x12a: {  	v6 =	vadd.f32 v6, v9;
	v9 =	vld [tilespmem:s0+$0x11000];
	v3 =	vadd.f32 v3, v5  }
0x12b: {  	s21 =	sadd.s32 $0x10, s21;
	v5 =	vld [tilespmem:s1+$0xD000]  }
0x12c: {  	v6 =	vadd.f32 v7, v6;
	v7 =	vld [tilespmem:s0+$0x11800];
	[tilespmem:s21+$0x0] =	vst v3  }
0x12d: {  	v3 =	vld [tilespmem:s1+$0xD800]  }
0x12e: {  	v8 =	vadd.f32 v10, v8;
	v4 =	vadd.f32 v4, v6;
	v6 =	vld [tilespmem:s0+$0x12000]  }
0x12f: {  	v10 =	vld [tilespmem:s1+$0xE000]  }
0x130: {  	v5 =	vadd.f32 v5, v8;
	v4 =	vadd.f32 v9, v4;
	v8 =	vld [tilespmem:s0+$0x12800]  }
0x131: {  	v9 =	vld [tilespmem:s1+$0xE800]  }
0x132: {  	v3 =	vadd.f32 v3, v5;
	v4 =	vadd.f32 v7, v4;
	v5 =	vld [tilespmem:s0+$0x13000]  }
0x133: {  	v11 =	vld [tilespmem:s1+$0xF000]  }
.Ltmp3:
0x134: {  	v7 =	vadd.f32 v10, v3;
	v10 =	vadd.f32 v6, v4;
	v3 =	vld [tilespmem:s0+$0x13800];
	s0 =	smov.u32 s1;
	(pc) =	sbr.rel @p0 .LBB2_8-.Ltmp3, $4  }
0x135: {  	v6 =	vld [tilespmem:s0+$0xF800]  }
0x136: {  	v9 =	vadd.f32 v9, v7;
	v4 =	vld [tilespmem:s0+$0x10800];
	v10 =	vadd.f32 v8, v10  }
0x137: {  	s2 =	sadd.s32 $0x10, s2;
	v7 =	vld [tilespmem:s0+$0x10000]  }
0x138: {  	s1 =	sand.u32 $0x7F0, s3;
	s3 =	sadd.s32 $0x10, s3;
	v8 =	vld [tilespmem:s2+$0x0];
	v9 =	vadd.f32 v11, v9;
	v5 =	vadd.f32 v5, v10  }
0x139: {  	v10 =	vld [tilespmem:s1+$0xC800];
	_ =	sdelay $0x1  }
0x13a: {  	v11 =	vld [tilespmem:s1+$0xD000];
	_ =	sdelay $0x1  }
0x13b: {  	v12 =	vld [tilespmem:s1+$0xD800]  }
0x13c: {  	v8 =	vadd.f32 v10, v8  }
0x13d: {  	v45 =	vld [tilespmem:s1+$0xE000]  }
0x13e: {  	v8 =	vadd.f32 v11, v8  }
0x13f: {  	v46 =	vld [tilespmem:s1+$0xE800]  }
0x140: {  	v8 =	vadd.f32 v12, v8  }
0x141: {  	v47 =	vld [tilespmem:s1+$0xF000]  }
0x142: {  	v8 =	vadd.f32 v45, v8  }
0x143: {  	v48 =	vld [tilespmem:s1+$0xF800]  }
0x144: {  	v8 =	vadd.f32 v46, v8  }
0x145: {  	v49 =	vld [tilespmem:s1+$0x10000]  }
0x146: {  	v8 =	vadd.f32 v47, v8  }
0x147: {  	v50 =	vld [tilespmem:s1+$0x10800];
	v6 =	vadd.f32 v6, v9  }
0x148: {  	v51 =	vld [tilespmem:s0+$0x11000];
	v8 =	vadd.f32 v48, v8  }
0x149: {  	v52 =	vld [tilespmem:s1+$0x11000];
	v6 =	vadd.f32 v7, v6  }
0x14a: {  	v53 =	vld [tilespmem:s0+$0x11800];
	v8 =	vadd.f32 v49, v8  }
0x14b: {  	v54 =	vld [tilespmem:s1+$0x11800];
	v4 =	vadd.f32 v4, v6  }
0x14c: {  	v55 =	vld [tilespmem:s0+$0x12000];
	v8 =	vadd.f32 v50, v8  }
0x14d: {  	v56 =	vld [tilespmem:s1+$0x12000];
	v4 =	vadd.f32 v51, v4  }
0x14e: {  	v57 =	vld [tilespmem:s0+$0x12800];
	v7 =	vadd.f32 v52, v8  }
0x14f: {  	v58 =	vld [tilespmem:s1+$0x12800];
	v4 =	vadd.f32 v53, v4  }
0x150: {  	v59 =	vld [tilespmem:s0+$0x13000];
	v6 =	vadd.f32 v54, v7  }
0x151: {  	v60 =	vld [tilespmem:s1+$0x13000];
	v4 =	vadd.f32 v55, v4  }
0x152: {  	v61 =	vld [tilespmem:s0+$0x13800];
	v6 =	vadd.f32 v56, v6  }
0x153: {  	v62 =	vld [tilespmem:s1+$0x13800];
	v4 =	vadd.f32 v57, v4  }
0x154: {  	v6 =	vadd.f32 v58, v6  }
0x155: {  	v4 =	vadd.f32 v59, v4  }
0x156: {  	v3 =	vadd.f32 v3, v5;
	v63 =	vadd.f32 v60, v6  }
0x157: {  	s26 =	sadd.s32 $0x10, s21;
	v4 =	vadd.f32 v61, v4  }
0x158: {  	s0 =	sadd.s32 $0x10, s26;
	[tilespmem:s26+$0x0] =	vst v3;
	v3 =	vadd.f32 v62, v63  }
0x159: {  	[tilespmem:s0+$0x0] =	vst v4;
	s0 =	sadd.s32 $0x10, s0  }
0x15a: {  	s28 =	simm.s32 $0x80;
	s2 =	simm.s32 $0x400;
	[tilespmem:s0+$0x0] =	vst v3  }
0x15b: {  	s3 =	simm.s32 $0x14000;
	s29 =	simm.s32 $0x7;
	s0 =	rddreg [dreg:$0x11]  }
0x15c: {  	[hbm4b:s0+s28] =	stream.strided.scatter [tilespmem:s3], [sflag:$0x7], $0x800, s2, s28, $0x38;
	[tilespmem:$0x14800] =	vst v63  }
0x15d: {  	_ =	swait.ge [sflag:s29], $0x800  }
0x15e: {  	s30 =	rddreg [dreg:$0x13]  }
0x15f: {  	s31 =	rddreg [dreg:$0x12];
	s2 =	sadd.s32 $0x1, s30  }
0x160: {  	p0 =	sne.s32 s2, s31  }
.Ltmp4:
0x161: {  	_ = 	snop;
	(pc) =	sbr.rel @p0 .LBB2_1-.Ltmp4, $3  }
0x162: {  	_ =	sdelay $0x1  }
0x163: {  	[sflag:s29] =	ssyncset.done $0x0  }
0x164: {  	[sflag:s29] =	ssyncadd.s32 $0xFFFFF800  }
0x165: {  	_ =	sfence.sel $0x180000  }
0x166: {  	[bflag:$0x0] =	sbarrier.arrive $0xFFFF  }
0x167: {  	_ =	strace $0x90000047  }
0x168: {  	s0 =	stileid.u32;
	[bflag:$0x2] =	sbarrier.arrive $0xFFFF  }
0x169: {  	p0 =	sne.s32 s0, $0x0;
	s0 =	rddreg [dreg:$0x3]  }
0x16a: {  	s0 =	sadd.s32 @!p0 $0x100000, s0  }
0x16b: {  	[sflag:s0] =	ssyncadd.tile.s32 @!p0 $0x1;
	_ =	shalt  }
.Lfunc_end2:
_tile_overlayer_lowered:
.L_overlay_start_2:
0x16c: {  	(tag) =	ssettag $0x2  }
0x16d: {  	s0 =	rddreg [dreg:$0x0];
	s2 =	stileid.u32  }
0x16e: {  	s1 =	rddreg [dreg:$0x1];
	p0 =	sne.s32 s2, $0x0  }
0x16f: {  	s3 =	rddreg [dreg:$0x2];
	[bflag:$0x3] =	sbarrier.arrive $0xFFFF;
	s2 =	simm.s32 @!p0 $0x1C07  }
0x170: {  	[timem:s3], [sflag:s2] =	dma.local @!p0 [hbm:s0], s1  }
0x171: {  	s0 =	simm.s32 @!p0 $0x7  }
0x172: {  	_ =	swait.ge @!p0 [sflag:s0], s1  }
0x173: {  	s1 =	ssub.s32 @!p0 $0x0, s1;
	[sflag:s0] =	ssyncset.done @!p0 $0x0  }
0x174: {  	[sflag:s0] =	ssyncadd.s32 @!p0 s1  }
0x175: {  	[bflag:$0x3] =	sbarrier.arrive $0xFFFF  }
0x176: {  	_ =	shalt  }

</sc_bundles>
